<compile_context>
chip_gen: v7x
topology: tpu7x:2x2x1
jax: 0.10.2.dev20260603
libtpu: 0.0.44.dev20260713+nightly
codegen_flags: <defaults>
</compile_context>

<pallas_src>
import functools

import jax
import jax.numpy as jnp
from jax import lax
from jax.experimental import pallas as pl
from jax.experimental.pallas import tpu as pltpu
from jax.experimental.pallas import tpu_sc as plsc

B = 16384
L = 200
D = 10
NC = 2
NS = 16
NW = NC * NS
BPW = B // NW
NGROUPS = BPW // 16

_mesh = plsc.VectorSubcoreMesh(
    core_axis_name="c", subcore_axis_name="s", num_cores=NC, num_subcores=NS
)


@functools.partial(
    pl.kernel,
    out_type=jax.ShapeDtypeStruct((D, B), jnp.float32),
    mesh=_mesh,
    scratch_types=[
        pltpu.VMEM((L, BPW), jnp.int32),
        pltpu.VMEM((D, BPW), jnp.float32),
        pltpu.VMEM((32,), jnp.float32),
        pltpu.SemaphoreType.DMA,
    ],
    compiler_params=pltpu.CompilerParams(
        needs_layout_passes=False, use_tc_tiling_on_sc=True
    ),
)
def _bag_mean(xt_hbm, w_hbm, out_hbm, x_v, out_v, w_v, sem):
    wid = lax.axis_index("s") * NC + lax.axis_index("c")
    b0 = wid * BPW
    cp = pltpu.async_copy(xt_hbm.at[:, pl.ds(b0, BPW)], x_v, sem)
    pltpu.sync_copy(w_hbm, w_v)

    r0 = w_v[pl.ds(0, 16)]
    r1 = w_v[pl.ds(4, 16)]
    inv_l = jnp.float32(1.0 / L)
    w0b = []
    cfb = []
    for d in range(D):
        w0d = r0.at[jnp.full((16,), d, jnp.int32)].get(mode="promise_in_bounds")
        w1d = r1.at[jnp.full((16,), 6 + d, jnp.int32)].get(mode="promise_in_bounds")
        w0b.append(w0d)
        cfb.append((w1d - w0d) * inv_l)

    cp.wait()

    def group_body(g, carry):
        b = g * 16
        accs = [jnp.zeros((16,), jnp.int32) for _ in range(4)]
        for l in range(L):
            accs[l % 4] = accs[l % 4] + x_v[l, pl.ds(b, 16)]
        acc = (accs[0] + accs[1]) + (accs[2] + accs[3])
        s = acc.astype(jnp.float32)
        for d in range(D):
            out_v[d, pl.ds(b, 16)] = w0b[d] + s * cfb[d]
        return carry

    lax.fori_loop(0, NGROUPS, group_body, 0)
    pltpu.sync_copy(out_v, out_hbm.at[:, pl.ds(b0, BPW)])


def kernel(x, use_quantized, W):
    del use_quantized
    xt = x.astype(jnp.int32).T
    wf = jnp.zeros((32,), jnp.float32).at[:20].set(W.astype(jnp.float32).reshape(20))
    out_t = _bag_mean(xt, wf)
    return out_t.T

# --- scband reference (transcript-rebuilt; emitter-appended) ---
"""Pipeline reference for scband-model-85779086836538 (READ-ONLY COPY).

The authoritative reference and input builder live on the scoring server;
editing this copy changes nothing except your own understanding.
"""

import jax, jax.numpy as jnp
import numpy as np


def setup_inputs(seed: int = 0) -> dict:
    key = jax.random.key(seed)
    k1, k2 = jax.random.split(key)
    x = jax.random.randint(k1, (16384, 200), 0, 2, dtype=jnp.int64)
    # learned parameter: EmbeddingBag weight [num_embeddings=2, embedding_dim=10]
    W = jax.random.normal(k2, (2, 10), dtype=jnp.float32)
    return {"x": x, "use_quantized": False, "W": W}


def reference(x, use_quantized, W):
    # nn.EmbeddingBag default mode='mean': gather rows then mean over each bag.
    # use_quantized=False path is exercised; the quantized path computes the
    # same gather+mean math (with int8-quantized weights), so the float path
    # is the faithful reference here.
    gathered = jnp.take(W, x, axis=0)          # [B, L, D]
    out = jnp.mean(gathered, axis=1)           # [B, D]
    return out

if __name__ == "__main__":
    import jax
    _d = setup_inputs()
    print(jax.jit(kernel)(*tuple(_d.values())))

</pallas_src>

<mosaic_0001>
#map = affine_map<(d0, d1) -> (0, 0)>
#map1 = affine_map<(d0, d1) -> (0)>
module attributes {stable_mosaic.version = 14 : i64} {
  func.func @_bag_mean(%arg0: i32, %arg1: i32, %arg2: memref<200x16384xi32, #tpu.memory_space<hbm>>, %arg3: memref<32xf32, #tpu.memory_space<hbm>>, %arg4: memref<10x16384xf32, #tpu.memory_space<hbm>>, %arg5: memref<200x512xi32, #tpu.memory_space<vmem>>, %arg6: memref<10x512xf32, #tpu.memory_space<vmem>>, %arg7: memref<32xf32, #tpu.memory_space<vmem>>, %arg8: memref<!tpu.dma_semaphore, #tpu.memory_space<semaphore_mem>>) attributes {dimension_semantics = [#tpu.dimension_semantics<core_parallel>, #tpu.dimension_semantics<subcore_parallel>], iteration_bounds = array<i64: 2, 16>, scalar_prefetch = 0 : i64, scratch_operands = 4 : i64, tpu.core_type = #tpu.core_type<sc_vector_subcore>, window_params = [{transform_indices = #map}, {transform_indices = #map1}, {transform_indices = #map}]} {
    %mul3A = arith.constant 2 : i32
    %mul3A_0 = arith.muli %arg1, %mul3A : i32
    %add3A = arith.addi %mul3A_0, %arg0 : i32
    %mul3A_1 = arith.constant 512 : i32
    %mul3A_2 = arith.muli %add3A, %mul3A_1 : i32
    %dma_start3A = arith.constant 0 : i32
    %dma_start3A_3 = tpu.memref_slice %arg2[%dma_start3A, %mul3A_2] : memref<200x16384xi32, #tpu.memory_space<hbm>> -> memref<200x512xi32, #tpu.memory_space<hbm>>
    %dma_start3A_4 = arith.constant 0 : i32
    %dma_start3A_5 = tpu.memref_slice %arg2[%dma_start3A_4, %mul3A_2] : memref<200x16384xi32, #tpu.memory_space<hbm>> -> memref<200x512xi32, #tpu.memory_space<hbm>>
    tpu.enqueue_dma source(%dma_start3A_5 : memref<200x512xi32, #tpu.memory_space<hbm>>) target(%arg5 : memref<200x512xi32, #tpu.memory_space<vmem>>) target_semaphore(%arg8 : memref<!tpu.dma_semaphore, #tpu.memory_space<semaphore_mem>>)
    "tpu.region"() ({
      %run_scoped3A = tpu.sem_alloc : memref<!tpu.dma_semaphore, #tpu.memory_space<semaphore_mem>>
      tpu.enqueue_dma source(%arg3 : memref<32xf32, #tpu.memory_space<hbm>>) target(%arg7 : memref<32xf32, #tpu.memory_space<vmem>>) target_semaphore(%run_scoped3A : memref<!tpu.dma_semaphore, #tpu.memory_space<semaphore_mem>>)
      tpu.wait_dma2 semaphore(%run_scoped3A : memref<!tpu.dma_semaphore, #tpu.memory_space<semaphore_mem>>) src(%arg3 : memref<32xf32, #tpu.memory_space<hbm>>) dst(%arg7 : memref<32xf32, #tpu.memory_space<vmem>>)
      tpu.yield
    }) : () -> ()
    %get3A = arith.constant 0 : index
    %get3A_6 = tpu.vector_load %arg7[%get3A] {strides = array<i32>} : memref<32xf32, #tpu.memory_space<vmem>>, vector<16xf32>,
    %get3A_7 = arith.constant 4 : index
    %get3A_8 = tpu.vector_load %arg7[%get3A_7] {strides = array<i32>} : memref<32xf32, #tpu.memory_space<vmem>>, vector<16xf32>,
    %broadcast_in_dim3A = arith.constant 0 : i32
    %broadcast_in_dim3A_9 = vector.broadcast %broadcast_in_dim3A : i32 to vector<16xi32>
    %lt3A = arith.constant 0 : i32
    %lt3A_10 = vector.broadcast %lt3A : i32 to vector<16xi32>
    %lt3A_11 = arith.cmpi slt, %broadcast_in_dim3A_9, %lt3A_10 : vector<16xi32>
    %add3A_12 = arith.constant 16 : i32
    %add3A_13 = vector.broadcast %add3A_12 : i32 to vector<16xi32>
    %add3A_14 = arith.addi %broadcast_in_dim3A_9, %add3A_13 : vector<16xi32>
    %select_n3A = arith.select %lt3A_11, %add3A_14, %broadcast_in_dim3A_9 : vector<16xi1>, vector<16xi32>
    %broadcast_in_dim3A_15 = vector.shape_cast %select_n3A : vector<16xi32> to vector<16x1xi32>
    %gather3A = vector.shape_cast %broadcast_in_dim3A_15 : vector<16x1xi32> to vector<16xi32>
    %gather3A_16 = tpu.dynamic_gather %get3A_6[%gather3A] in [0] : vector<16xf32>, vector<16xi32> -> vector<16xf32>
    %broadcast_in_dim3A_17 = arith.constant 6 : i32
    %broadcast_in_dim3A_18 = vector.broadcast %broadcast_in_dim3A_17 : i32 to vector<16xi32>
    %lt3A_19 = arith.constant 0 : i32
    %lt3A_20 = vector.broadcast %lt3A_19 : i32 to vector<16xi32>
    %lt3A_21 = arith.cmpi slt, %broadcast_in_dim3A_18, %lt3A_20 : vector<16xi32>
    %add3A_22 = arith.constant 16 : i32
    %add3A_23 = vector.broadcast %add3A_22 : i32 to vector<16xi32>
    %add3A_24 = arith.addi %broadcast_in_dim3A_18, %add3A_23 : vector<16xi32>
    %select_n3A_25 = arith.select %lt3A_21, %add3A_24, %broadcast_in_dim3A_18 : vector<16xi1>, vector<16xi32>
    %broadcast_in_dim3A_26 = vector.shape_cast %select_n3A_25 : vector<16xi32> to vector<16x1xi32>
    %gather3A_27 = vector.shape_cast %broadcast_in_dim3A_26 : vector<16x1xi32> to vector<16xi32>
    %gather3A_28 = tpu.dynamic_gather %get3A_8[%gather3A_27] in [0] : vector<16xf32>, vector<16xi32> -> vector<16xf32>
    %sub3A = arith.subf %gather3A_28, %gather3A_16 : vector<16xf32>
    %mul3A_29 = arith.constant 5.000000e-03 : f32
    %mul3A_30 = vector.broadcast %mul3A_29 : f32 to vector<16xf32>
    %mul3A_31 = arith.mulf %sub3A, %mul3A_30 : vector<16xf32>
    %broadcast_in_dim3A_32 = arith.constant 1 : i32
    %broadcast_in_dim3A_33 = vector.broadcast %broadcast_in_dim3A_32 : i32 to vector<16xi32>
    %lt3A_34 = arith.constant 0 : i32
    %lt3A_35 = vector.broadcast %lt3A_34 : i32 to vector<16xi32>
    %lt3A_36 = arith.cmpi slt, %broadcast_in_dim3A_33, %lt3A_35 : vector<16xi32>
    %add3A_37 = arith.constant 16 : i32
    %add3A_38 = vector.broadcast %add3A_37 : i32 to vector<16xi32>
    %add3A_39 = arith.addi %broadcast_in_dim3A_33, %add3A_38 : vector<16xi32>
    %select_n3A_40 = arith.select %lt3A_36, %add3A_39, %broadcast_in_dim3A_33 : vector<16xi1>, vector<16xi32>
    %broadcast_in_dim3A_41 = vector.shape_cast %select_n3A_40 : vector<16xi32> to vector<16x1xi32>
    %gather3A_42 = vector.shape_cast %broadcast_in_dim3A_41 : vector<16x1xi32> to vector<16xi32>
    %gather3A_43 = tpu.dynamic_gather %get3A_6[%gather3A_42] in [0] : vector<16xf32>, vector<16xi32> -> vector<16xf32>
    %broadcast_in_dim3A_44 = arith.constant 7 : i32
    %broadcast_in_dim3A_45 = vector.broadcast %broadcast_in_dim3A_44 : i32 to vector<16xi32>
    %lt3A_46 = arith.constant 0 : i32
    %lt3A_47 = vector.broadcast %lt3A_46 : i32 to vector<16xi32>
    %lt3A_48 = arith.cmpi slt, %broadcast_in_dim3A_45, %lt3A_47 : vector<16xi32>
    %add3A_49 = arith.constant 16 : i32
    %add3A_50 = vector.broadcast %add3A_49 : i32 to vector<16xi32>
    %add3A_51 = arith.addi %broadcast_in_dim3A_45, %add3A_50 : vector<16xi32>
    %select_n3A_52 = arith.select %lt3A_48, %add3A_51, %broadcast_in_dim3A_45 : vector<16xi1>, vector<16xi32>
    %broadcast_in_dim3A_53 = vector.shape_cast %select_n3A_52 : vector<16xi32> to vector<16x1xi32>
    %gather3A_54 = vector.shape_cast %broadcast_in_dim3A_53 : vector<16x1xi32> to vector<16xi32>
    %gather3A_55 = tpu.dynamic_gather %get3A_8[%gather3A_54] in [0] : vector<16xf32>, vector<16xi32> -> vector<16xf32>
    %sub3A_56 = arith.subf %gather3A_55, %gather3A_43 : vector<16xf32>
    %mul3A_57 = arith.constant 5.000000e-03 : f32
    %mul3A_58 = vector.broadcast %mul3A_57 : f32 to vector<16xf32>
    %mul3A_59 = arith.mulf %sub3A_56, %mul3A_58 : vector<16xf32>
    %broadcast_in_dim3A_60 = arith.constant 2 : i32
    %broadcast_in_dim3A_61 = vector.broadcast %broadcast_in_dim3A_60 : i32 to vector<16xi32>
    %lt3A_62 = arith.constant 0 : i32
    %lt3A_63 = vector.broadcast %lt3A_62 : i32 to vector<16xi32>
    %lt3A_64 = arith.cmpi slt, %broadcast_in_dim3A_61, %lt3A_63 : vector<16xi32>
    %add3A_65 = arith.constant 16 : i32
    %add3A_66 = vector.broadcast %add3A_65 : i32 to vector<16xi32>
    %add3A_67 = arith.addi %broadcast_in_dim3A_61, %add3A_66 : vector<16xi32>
    %select_n3A_68 = arith.select %lt3A_64, %add3A_67, %broadcast_in_dim3A_61 : vector<16xi1>, vector<16xi32>
    %broadcast_in_dim3A_69 = vector.shape_cast %select_n3A_68 : vector<16xi32> to vector<16x1xi32>
    %gather3A_70 = vector.shape_cast %broadcast_in_dim3A_69 : vector<16x1xi32> to vector<16xi32>
    %gather3A_71 = tpu.dynamic_gather %get3A_6[%gather3A_70] in [0] : vector<16xf32>, vector<16xi32> -> vector<16xf32>
    %broadcast_in_dim3A_72 = arith.constant 8 : i32
    %broadcast_in_dim3A_73 = vector.broadcast %broadcast_in_dim3A_72 : i32 to vector<16xi32>
    %lt3A_74 = arith.constant 0 : i32
    %lt3A_75 = vector.broadcast %lt3A_74 : i32 to vector<16xi32>
    %lt3A_76 = arith.cmpi slt, %broadcast_in_dim3A_73, %lt3A_75 : vector<16xi32>
    %add3A_77 = arith.constant 16 : i32
    %add3A_78 = vector.broadcast %add3A_77 : i32 to vector<16xi32>
    %add3A_79 = arith.addi %broadcast_in_dim3A_73, %add3A_78 : vector<16xi32>
    %select_n3A_80 = arith.select %lt3A_76, %add3A_79, %broadcast_in_dim3A_73 : vector<16xi1>, vector<16xi32>
    %broadcast_in_dim3A_81 = vector.shape_cast %select_n3A_80 : vector<16xi32> to vector<16x1xi32>
    %gather3A_82 = vector.shape_cast %broadcast_in_dim3A_81 : vector<16x1xi32> to vector<16xi32>
    %gather3A_83 = tpu.dynamic_gather %get3A_8[%gather3A_82] in [0] : vector<16xf32>, vector<16xi32> -> vector<16xf32>
    %sub3A_84 = arith.subf %gather3A_83, %gather3A_71 : vector<16xf32>
    %mul3A_85 = arith.constant 5.000000e-03 : f32
    %mul3A_86 = vector.broadcast %mul3A_85 : f32 to vector<16xf32>
    %mul3A_87 = arith.mulf %sub3A_84, %mul3A_86 : vector<16xf32>
    %broadcast_in_dim3A_88 = arith.constant 3 : i32
    %broadcast_in_dim3A_89 = vector.broadcast %broadcast_in_dim3A_88 : i32 to vector<16xi32>
    %lt3A_90 = arith.constant 0 : i32
    %lt3A_91 = vector.broadcast %lt3A_90 : i32 to vector<16xi32>
    %lt3A_92 = arith.cmpi slt, %broadcast_in_dim3A_89, %lt3A_91 : vector<16xi32>
    %add3A_93 = arith.constant 16 : i32
    %add3A_94 = vector.broadcast %add3A_93 : i32 to vector<16xi32>
    %add3A_95 = arith.addi %broadcast_in_dim3A_89, %add3A_94 : vector<16xi32>
    %select_n3A_96 = arith.select %lt3A_92, %add3A_95, %broadcast_in_dim3A_89 : vector<16xi1>, vector<16xi32>
    %broadcast_in_dim3A_97 = vector.shape_cast %select_n3A_96 : vector<16xi32> to vector<16x1xi32>
    %gather3A_98 = vector.shape_cast %broadcast_in_dim3A_97 : vector<16x1xi32> to vector<16xi32>
    %gather3A_99 = tpu.dynamic_gather %get3A_6[%gather3A_98] in [0] : vector<16xf32>, vector<16xi32> -> vector<16xf32>
    %broadcast_in_dim3A_100 = arith.constant 9 : i32
    %broadcast_in_dim3A_101 = vector.broadcast %broadcast_in_dim3A_100 : i32 to vector<16xi32>
    %lt3A_102 = arith.constant 0 : i32
    %lt3A_103 = vector.broadcast %lt3A_102 : i32 to vector<16xi32>
    %lt3A_104 = arith.cmpi slt, %broadcast_in_dim3A_101, %lt3A_103 : vector<16xi32>
    %add3A_105 = arith.constant 16 : i32
    %add3A_106 = vector.broadcast %add3A_105 : i32 to vector<16xi32>
    %add3A_107 = arith.addi %broadcast_in_dim3A_101, %add3A_106 : vector<16xi32>
    %select_n3A_108 = arith.select %lt3A_104, %add3A_107, %broadcast_in_dim3A_101 : vector<16xi1>, vector<16xi32>
    %broadcast_in_dim3A_109 = vector.shape_cast %select_n3A_108 : vector<16xi32> to vector<16x1xi32>
    %gather3A_110 = vector.shape_cast %broadcast_in_dim3A_109 : vector<16x1xi32> to vector<16xi32>
    %gather3A_111 = tpu.dynamic_gather %get3A_8[%gather3A_110] in [0] : vector<16xf32>, vector<16xi32> -> vector<16xf32>
    %sub3A_112 = arith.subf %gather3A_111, %gather3A_99 : vector<16xf32>
    %mul3A_113 = arith.constant 5.000000e-03 : f32
    %mul3A_114 = vector.broadcast %mul3A_113 : f32 to vector<16xf32>
    %mul3A_115 = arith.mulf %sub3A_112, %mul3A_114 : vector<16xf32>
    %broadcast_in_dim3A_116 = arith.constant 4 : i32
    %broadcast_in_dim3A_117 = vector.broadcast %broadcast_in_dim3A_116 : i32 to vector<16xi32>
    %lt3A_118 = arith.constant 0 : i32
    %lt3A_119 = vector.broadcast %lt3A_118 : i32 to vector<16xi32>
    %lt3A_120 = arith.cmpi slt, %broadcast_in_dim3A_117, %lt3A_119 : vector<16xi32>
    %add3A_121 = arith.constant 16 : i32
    %add3A_122 = vector.broadcast %add3A_121 : i32 to vector<16xi32>
    %add3A_123 = arith.addi %broadcast_in_dim3A_117, %add3A_122 : vector<16xi32>
    %select_n3A_124 = arith.select %lt3A_120, %add3A_123, %broadcast_in_dim3A_117 : vector<16xi1>, vector<16xi32>
    %broadcast_in_dim3A_125 = vector.shape_cast %select_n3A_124 : vector<16xi32> to vector<16x1xi32>
    %gather3A_126 = vector.shape_cast %broadcast_in_dim3A_125 : vector<16x1xi32> to vector<16xi32>
    %gather3A_127 = tpu.dynamic_gather %get3A_6[%gather3A_126] in [0] : vector<16xf32>, vector<16xi32> -> vector<16xf32>
    %broadcast_in_dim3A_128 = arith.constant 10 : i32
    %broadcast_in_dim3A_129 = vector.broadcast %broadcast_in_dim3A_128 : i32 to vector<16xi32>
    %lt3A_130 = arith.constant 0 : i32
    %lt3A_131 = vector.broadcast %lt3A_130 : i32 to vector<16xi32>
    %lt3A_132 = arith.cmpi slt, %broadcast_in_dim3A_129, %lt3A_131 : vector<16xi32>
    %add3A_133 = arith.constant 16 : i32
    %add3A_134 = vector.broadcast %add3A_133 : i32 to vector<16xi32>
    %add3A_135 = arith.addi %broadcast_in_dim3A_129, %add3A_134 : vector<16xi32>
    %select_n3A_136 = arith.select %lt3A_132, %add3A_135, %broadcast_in_dim3A_129 : vector<16xi1>, vector<16xi32>
    %broadcast_in_dim3A_137 = vector.shape_cast %select_n3A_136 : vector<16xi32> to vector<16x1xi32>
    %gather3A_138 = vector.shape_cast %broadcast_in_dim3A_137 : vector<16x1xi32> to vector<16xi32>
    %gather3A_139 = tpu.dynamic_gather %get3A_8[%gather3A_138] in [0] : vector<16xf32>, vector<16xi32> -> vector<16xf32>
    %sub3A_140 = arith.subf %gather3A_139, %gather3A_127 : vector<16xf32>
    %mul3A_141 = arith.constant 5.000000e-03 : f32
    %mul3A_142 = vector.broadcast %mul3A_141 : f32 to vector<16xf32>
    %mul3A_143 = arith.mulf %sub3A_140, %mul3A_142 : vector<16xf32>
    %broadcast_in_dim3A_144 = arith.constant 5 : i32
    %broadcast_in_dim3A_145 = vector.broadcast %broadcast_in_dim3A_144 : i32 to vector<16xi32>
    %lt3A_146 = arith.constant 0 : i32
    %lt3A_147 = vector.broadcast %lt3A_146 : i32 to vector<16xi32>
    %lt3A_148 = arith.cmpi slt, %broadcast_in_dim3A_145, %lt3A_147 : vector<16xi32>
    %add3A_149 = arith.constant 16 : i32
    %add3A_150 = vector.broadcast %add3A_149 : i32 to vector<16xi32>
    %add3A_151 = arith.addi %broadcast_in_dim3A_145, %add3A_150 : vector<16xi32>
    %select_n3A_152 = arith.select %lt3A_148, %add3A_151, %broadcast_in_dim3A_145 : vector<16xi1>, vector<16xi32>
    %broadcast_in_dim3A_153 = vector.shape_cast %select_n3A_152 : vector<16xi32> to vector<16x1xi32>
    %gather3A_154 = vector.shape_cast %broadcast_in_dim3A_153 : vector<16x1xi32> to vector<16xi32>
    %gather3A_155 = tpu.dynamic_gather %get3A_6[%gather3A_154] in [0] : vector<16xf32>, vector<16xi32> -> vector<16xf32>
    %broadcast_in_dim3A_156 = arith.constant 11 : i32
    %broadcast_in_dim3A_157 = vector.broadcast %broadcast_in_dim3A_156 : i32 to vector<16xi32>
    %lt3A_158 = arith.constant 0 : i32
    %lt3A_159 = vector.broadcast %lt3A_158 : i32 to vector<16xi32>
    %lt3A_160 = arith.cmpi slt, %broadcast_in_dim3A_157, %lt3A_159 : vector<16xi32>
    %add3A_161 = arith.constant 16 : i32
    %add3A_162 = vector.broadcast %add3A_161 : i32 to vector<16xi32>
    %add3A_163 = arith.addi %broadcast_in_dim3A_157, %add3A_162 : vector<16xi32>
    %select_n3A_164 = arith.select %lt3A_160, %add3A_163, %broadcast_in_dim3A_157 : vector<16xi1>, vector<16xi32>
    %broadcast_in_dim3A_165 = vector.shape_cast %select_n3A_164 : vector<16xi32> to vector<16x1xi32>
    %gather3A_166 = vector.shape_cast %broadcast_in_dim3A_165 : vector<16x1xi32> to vector<16xi32>
    %gather3A_167 = tpu.dynamic_gather %get3A_8[%gather3A_166] in [0] : vector<16xf32>, vector<16xi32> -> vector<16xf32>
    %sub3A_168 = arith.subf %gather3A_167, %gather3A_155 : vector<16xf32>
    %mul3A_169 = arith.constant 5.000000e-03 : f32
    %mul3A_170 = vector.broadcast %mul3A_169 : f32 to vector<16xf32>
    %mul3A_171 = arith.mulf %sub3A_168, %mul3A_170 : vector<16xf32>
    %broadcast_in_dim3A_172 = arith.constant 6 : i32
    %broadcast_in_dim3A_173 = vector.broadcast %broadcast_in_dim3A_172 : i32 to vector<16xi32>
    %lt3A_174 = arith.constant 0 : i32
    %lt3A_175 = vector.broadcast %lt3A_174 : i32 to vector<16xi32>
    %lt3A_176 = arith.cmpi slt, %broadcast_in_dim3A_173, %lt3A_175 : vector<16xi32>
    %add3A_177 = arith.constant 16 : i32
    %add3A_178 = vector.broadcast %add3A_177 : i32 to vector<16xi32>
    %add3A_179 = arith.addi %broadcast_in_dim3A_173, %add3A_178 : vector<16xi32>
    %select_n3A_180 = arith.select %lt3A_176, %add3A_179, %broadcast_in_dim3A_173 : vector<16xi1>, vector<16xi32>
    %broadcast_in_dim3A_181 = vector.shape_cast %select_n3A_180 : vector<16xi32> to vector<16x1xi32>
    %gather3A_182 = vector.shape_cast %broadcast_in_dim3A_181 : vector<16x1xi32> to vector<16xi32>
    %gather3A_183 = tpu.dynamic_gather %get3A_6[%gather3A_182] in [0] : vector<16xf32>, vector<16xi32> -> vector<16xf32>
    %broadcast_in_dim3A_184 = arith.constant 12 : i32
    %broadcast_in_dim3A_185 = vector.broadcast %broadcast_in_dim3A_184 : i32 to vector<16xi32>
    %lt3A_186 = arith.constant 0 : i32
    %lt3A_187 = vector.broadcast %lt3A_186 : i32 to vector<16xi32>
    %lt3A_188 = arith.cmpi slt, %broadcast_in_dim3A_185, %lt3A_187 : vector<16xi32>
    %add3A_189 = arith.constant 16 : i32
    %add3A_190 = vector.broadcast %add3A_189 : i32 to vector<16xi32>
    %add3A_191 = arith.addi %broadcast_in_dim3A_185, %add3A_190 : vector<16xi32>
    %select_n3A_192 = arith.select %lt3A_188, %add3A_191, %broadcast_in_dim3A_185 : vector<16xi1>, vector<16xi32>
    %broadcast_in_dim3A_193 = vector.shape_cast %select_n3A_192 : vector<16xi32> to vector<16x1xi32>
    %gather3A_194 = vector.shape_cast %broadcast_in_dim3A_193 : vector<16x1xi32> to vector<16xi32>
    %gather3A_195 = tpu.dynamic_gather %get3A_8[%gather3A_194] in [0] : vector<16xf32>, vector<16xi32> -> vector<16xf32>
    %sub3A_196 = arith.subf %gather3A_195, %gather3A_183 : vector<16xf32>
    %mul3A_197 = arith.constant 5.000000e-03 : f32
    %mul3A_198 = vector.broadcast %mul3A_197 : f32 to vector<16xf32>
    %mul3A_199 = arith.mulf %sub3A_196, %mul3A_198 : vector<16xf32>
    %broadcast_in_dim3A_200 = arith.constant 7 : i32
    %broadcast_in_dim3A_201 = vector.broadcast %broadcast_in_dim3A_200 : i32 to vector<16xi32>
    %lt3A_202 = arith.constant 0 : i32
    %lt3A_203 = vector.broadcast %lt3A_202 : i32 to vector<16xi32>
    %lt3A_204 = arith.cmpi slt, %broadcast_in_dim3A_201, %lt3A_203 : vector<16xi32>
    %add3A_205 = arith.constant 16 : i32
    %add3A_206 = vector.broadcast %add3A_205 : i32 to vector<16xi32>
    %add3A_207 = arith.addi %broadcast_in_dim3A_201, %add3A_206 : vector<16xi32>
    %select_n3A_208 = arith.select %lt3A_204, %add3A_207, %broadcast_in_dim3A_201 : vector<16xi1>, vector<16xi32>
    %broadcast_in_dim3A_209 = vector.shape_cast %select_n3A_208 : vector<16xi32> to vector<16x1xi32>
    %gather3A_210 = vector.shape_cast %broadcast_in_dim3A_209 : vector<16x1xi32> to vector<16xi32>
    %gather3A_211 = tpu.dynamic_gather %get3A_6[%gather3A_210] in [0] : vector<16xf32>, vector<16xi32> -> vector<16xf32>
    %broadcast_in_dim3A_212 = arith.constant 13 : i32
    %broadcast_in_dim3A_213 = vector.broadcast %broadcast_in_dim3A_212 : i32 to vector<16xi32>
    %lt3A_214 = arith.constant 0 : i32
    %lt3A_215 = vector.broadcast %lt3A_214 : i32 to vector<16xi32>
    %lt3A_216 = arith.cmpi slt, %broadcast_in_dim3A_213, %lt3A_215 : vector<16xi32>
    %add3A_217 = arith.constant 16 : i32
    %add3A_218 = vector.broadcast %add3A_217 : i32 to vector<16xi32>
    %add3A_219 = arith.addi %broadcast_in_dim3A_213, %add3A_218 : vector<16xi32>
    %select_n3A_220 = arith.select %lt3A_216, %add3A_219, %broadcast_in_dim3A_213 : vector<16xi1>, vector<16xi32>
    %broadcast_in_dim3A_221 = vector.shape_cast %select_n3A_220 : vector<16xi32> to vector<16x1xi32>
    %gather3A_222 = vector.shape_cast %broadcast_in_dim3A_221 : vector<16x1xi32> to vector<16xi32>
    %gather3A_223 = tpu.dynamic_gather %get3A_8[%gather3A_222] in [0] : vector<16xf32>, vector<16xi32> -> vector<16xf32>
    %sub3A_224 = arith.subf %gather3A_223, %gather3A_211 : vector<16xf32>
    %mul3A_225 = arith.constant 5.000000e-03 : f32
    %mul3A_226 = vector.broadcast %mul3A_225 : f32 to vector<16xf32>
    %mul3A_227 = arith.mulf %sub3A_224, %mul3A_226 : vector<16xf32>
    %broadcast_in_dim3A_228 = arith.constant 8 : i32
    %broadcast_in_dim3A_229 = vector.broadcast %broadcast_in_dim3A_228 : i32 to vector<16xi32>
    %lt3A_230 = arith.constant 0 : i32
    %lt3A_231 = vector.broadcast %lt3A_230 : i32 to vector<16xi32>
    %lt3A_232 = arith.cmpi slt, %broadcast_in_dim3A_229, %lt3A_231 : vector<16xi32>
    %add3A_233 = arith.constant 16 : i32
    %add3A_234 = vector.broadcast %add3A_233 : i32 to vector<16xi32>
    %add3A_235 = arith.addi %broadcast_in_dim3A_229, %add3A_234 : vector<16xi32>
    %select_n3A_236 = arith.select %lt3A_232, %add3A_235, %broadcast_in_dim3A_229 : vector<16xi1>, vector<16xi32>
    %broadcast_in_dim3A_237 = vector.shape_cast %select_n3A_236 : vector<16xi32> to vector<16x1xi32>
    %gather3A_238 = vector.shape_cast %broadcast_in_dim3A_237 : vector<16x1xi32> to vector<16xi32>
    %gather3A_239 = tpu.dynamic_gather %get3A_6[%gather3A_238] in [0] : vector<16xf32>, vector<16xi32> -> vector<16xf32>
    %broadcast_in_dim3A_240 = arith.constant 14 : i32
    %broadcast_in_dim3A_241 = vector.broadcast %broadcast_in_dim3A_240 : i32 to vector<16xi32>
    %lt3A_242 = arith.constant 0 : i32
    %lt3A_243 = vector.broadcast %lt3A_242 : i32 to vector<16xi32>
    %lt3A_244 = arith.cmpi slt, %broadcast_in_dim3A_241, %lt3A_243 : vector<16xi32>
    %add3A_245 = arith.constant 16 : i32
    %add3A_246 = vector.broadcast %add3A_245 : i32 to vector<16xi32>
    %add3A_247 = arith.addi %broadcast_in_dim3A_241, %add3A_246 : vector<16xi32>
    %select_n3A_248 = arith.select %lt3A_244, %add3A_247, %broadcast_in_dim3A_241 : vector<16xi1>, vector<16xi32>
    %broadcast_in_dim3A_249 = vector.shape_cast %select_n3A_248 : vector<16xi32> to vector<16x1xi32>
    %gather3A_250 = vector.shape_cast %broadcast_in_dim3A_249 : vector<16x1xi32> to vector<16xi32>
    %gather3A_251 = tpu.dynamic_gather %get3A_8[%gather3A_250] in [0] : vector<16xf32>, vector<16xi32> -> vector<16xf32>
    %sub3A_252 = arith.subf %gather3A_251, %gather3A_239 : vector<16xf32>
    %mul3A_253 = arith.constant 5.000000e-03 : f32
    %mul3A_254 = vector.broadcast %mul3A_253 : f32 to vector<16xf32>
    %mul3A_255 = arith.mulf %sub3A_252, %mul3A_254 : vector<16xf32>
    %broadcast_in_dim3A_256 = arith.constant 9 : i32
    %broadcast_in_dim3A_257 = vector.broadcast %broadcast_in_dim3A_256 : i32 to vector<16xi32>
    %lt3A_258 = arith.constant 0 : i32
    %lt3A_259 = vector.broadcast %lt3A_258 : i32 to vector<16xi32>
    %lt3A_260 = arith.cmpi slt, %broadcast_in_dim3A_257, %lt3A_259 : vector<16xi32>
    %add3A_261 = arith.constant 16 : i32
    %add3A_262 = vector.broadcast %add3A_261 : i32 to vector<16xi32>
    %add3A_263 = arith.addi %broadcast_in_dim3A_257, %add3A_262 : vector<16xi32>
    %select_n3A_264 = arith.select %lt3A_260, %add3A_263, %broadcast_in_dim3A_257 : vector<16xi1>, vector<16xi32>
    %broadcast_in_dim3A_265 = vector.shape_cast %select_n3A_264 : vector<16xi32> to vector<16x1xi32>
    %gather3A_266 = vector.shape_cast %broadcast_in_dim3A_265 : vector<16x1xi32> to vector<16xi32>
    %gather3A_267 = tpu.dynamic_gather %get3A_6[%gather3A_266] in [0] : vector<16xf32>, vector<16xi32> -> vector<16xf32>
    %broadcast_in_dim3A_268 = arith.constant 15 : i32
    %broadcast_in_dim3A_269 = vector.broadcast %broadcast_in_dim3A_268 : i32 to vector<16xi32>
    %lt3A_270 = arith.constant 0 : i32
    %lt3A_271 = vector.broadcast %lt3A_270 : i32 to vector<16xi32>
    %lt3A_272 = arith.cmpi slt, %broadcast_in_dim3A_269, %lt3A_271 : vector<16xi32>
    %add3A_273 = arith.constant 16 : i32
    %add3A_274 = vector.broadcast %add3A_273 : i32 to vector<16xi32>
    %add3A_275 = arith.addi %broadcast_in_dim3A_269, %add3A_274 : vector<16xi32>
    %select_n3A_276 = arith.select %lt3A_272, %add3A_275, %broadcast_in_dim3A_269 : vector<16xi1>, vector<16xi32>
    %broadcast_in_dim3A_277 = vector.shape_cast %select_n3A_276 : vector<16xi32> to vector<16x1xi32>
    %gather3A_278 = vector.shape_cast %broadcast_in_dim3A_277 : vector<16x1xi32> to vector<16xi32>
    %gather3A_279 = tpu.dynamic_gather %get3A_8[%gather3A_278] in [0] : vector<16xf32>, vector<16xi32> -> vector<16xf32>
    %sub3A_280 = arith.subf %gather3A_279, %gather3A_267 : vector<16xf32>
    %mul3A_281 = arith.constant 5.000000e-03 : f32
    %mul3A_282 = vector.broadcast %mul3A_281 : f32 to vector<16xf32>
    %mul3A_283 = arith.mulf %sub3A_280, %mul3A_282 : vector<16xf32>
    %dma_wait3A = arith.constant 0 : i32
    %dma_wait3A_284 = tpu.memref_slice %arg2[%dma_wait3A, %mul3A_2] : memref<200x16384xi32, #tpu.memory_space<hbm>> -> memref<200x512xi32, #tpu.memory_space<hbm>>
    %dma_wait3A_285 = arith.constant 0 : i32
    %dma_wait3A_286 = tpu.memref_slice %arg2[%dma_wait3A_285, %mul3A_2] : memref<200x16384xi32, #tpu.memory_space<hbm>> -> memref<200x512xi32, #tpu.memory_space<hbm>>
    tpu.wait_dma2 semaphore(%arg8 : memref<!tpu.dma_semaphore, #tpu.memory_space<semaphore_mem>>) src(%dma_wait3A_286 : memref<200x512xi32, #tpu.memory_space<hbm>>) dst(%arg5 : memref<200x512xi32, #tpu.memory_space<vmem>>)
    %scan3A = arith.constant 0 : i32
    %scan3A_287 = arith.constant 0 : i32
    %scan3A_288 = arith.constant 32 : i32
    %scan3A_289 = arith.addi %scan3A_287, %scan3A_288 : i32
    %scan3A_290 = arith.constant 1 : i32
    scf.for %scan3A_292 = %scan3A_287 to %scan3A_289 step %scan3A_290  : i32 {
      %mul3A_293 = arith.constant 16 : i32
      %mul3A_294 = arith.muli %scan3A_292, %mul3A_293 : i32
      %broadcast_in_dim3A_295 = arith.constant 0 : i32
      %broadcast_in_dim3A_296 = vector.broadcast %broadcast_in_dim3A_295 : i32 to vector<16xi32>
      %broadcast_in_dim3A_297 = arith.constant 0 : i32
      %broadcast_in_dim3A_298 = vector.broadcast %broadcast_in_dim3A_297 : i32 to vector<16xi32>
      %broadcast_in_dim3A_299 = arith.constant 0 : i32
      %broadcast_in_dim3A_300 = vector.broadcast %broadcast_in_dim3A_299 : i32 to vector<16xi32>
      %broadcast_in_dim3A_301 = arith.constant 0 : i32
      %broadcast_in_dim3A_302 = vector.broadcast %broadcast_in_dim3A_301 : i32 to vector<16xi32>
      %get3A_303 = arith.constant 0 : i32
      %get3A_304 = arith.index_cast %get3A_303 : i32 to index
      %get3A_305 = arith.index_cast %mul3A_294 : i32 to index
      %get3A_306 = tpu.vector_load %arg5[%get3A_304, %get3A_305] {strides = array<i32>} : memref<200x512xi32, #tpu.memory_space<vmem>>, vector<16xi32>,
      %add3A_307 = arith.addi %broadcast_in_dim3A_296, %get3A_306 : vector<16xi32>
      %get3A_308 = arith.constant 1 : i32
      %get3A_309 = arith.index_cast %get3A_308 : i32 to index
      %get3A_310 = arith.index_cast %mul3A_294 : i32 to index
      %get3A_311 = tpu.vector_load %arg5[%get3A_309, %get3A_310] {strides = array<i32>} : memref<200x512xi32, #tpu.memory_space<vmem>>, vector<16xi32>,
      %add3A_312 = arith.addi %broadcast_in_dim3A_298, %get3A_311 : vector<16xi32>
      %get3A_313 = arith.constant 2 : i32
      %get3A_314 = arith.index_cast %get3A_313 : i32 to index
      %get3A_315 = arith.index_cast %mul3A_294 : i32 to index
      %get3A_316 = tpu.vector_load %arg5[%get3A_314, %get3A_315] {strides = array<i32>} : memref<200x512xi32, #tpu.memory_space<vmem>>, vector<16xi32>,
      %add3A_317 = arith.addi %broadcast_in_dim3A_300, %get3A_316 : vector<16xi32>
      %get3A_318 = arith.constant 3 : i32
      %get3A_319 = arith.index_cast %get3A_318 : i32 to index
      %get3A_320 = arith.index_cast %mul3A_294 : i32 to index
      %get3A_321 = tpu.vector_load %arg5[%get3A_319, %get3A_320] {strides = array<i32>} : memref<200x512xi32, #tpu.memory_space<vmem>>, vector<16xi32>,
      %add3A_322 = arith.addi %broadcast_in_dim3A_302, %get3A_321 : vector<16xi32>
      %get3A_323 = arith.constant 4 : i32
      %get3A_324 = arith.index_cast %get3A_323 : i32 to index
      %get3A_325 = arith.index_cast %mul3A_294 : i32 to index
      %get3A_326 = tpu.vector_load %arg5[%get3A_324, %get3A_325] {strides = array<i32>} : memref<200x512xi32, #tpu.memory_space<vmem>>, vector<16xi32>,
      %add3A_327 = arith.addi %add3A_307, %get3A_326 : vector<16xi32>
      %get3A_328 = arith.constant 5 : i32
      %get3A_329 = arith.index_cast %get3A_328 : i32 to index
      %get3A_330 = arith.index_cast %mul3A_294 : i32 to index
      %get3A_331 = tpu.vector_load %arg5[%get3A_329, %get3A_330] {strides = array<i32>} : memref<200x512xi32, #tpu.memory_space<vmem>>, vector<16xi32>,
      %add3A_332 = arith.addi %add3A_312, %get3A_331 : vector<16xi32>
      %get3A_333 = arith.constant 6 : i32
      %get3A_334 = arith.index_cast %get3A_333 : i32 to index
      %get3A_335 = arith.index_cast %mul3A_294 : i32 to index
      %get3A_336 = tpu.vector_load %arg5[%get3A_334, %get3A_335] {strides = array<i32>} : memref<200x512xi32, #tpu.memory_space<vmem>>, vector<16xi32>,
      %add3A_337 = arith.addi %add3A_317, %get3A_336 : vector<16xi32>
      %get3A_338 = arith.constant 7 : i32
      %get3A_339 = arith.index_cast %get3A_338 : i32 to index
      %get3A_340 = arith.index_cast %mul3A_294 : i32 to index
      %get3A_341 = tpu.vector_load %arg5[%get3A_339, %get3A_340] {strides = array<i32>} : memref<200x512xi32, #tpu.memory_space<vmem>>, vector<16xi32>,
      %add3A_342 = arith.addi %add3A_322, %get3A_341 : vector<16xi32>
      %get3A_343 = arith.constant 8 : i32
      %get3A_344 = arith.index_cast %get3A_343 : i32 to index
      %get3A_345 = arith.index_cast %mul3A_294 : i32 to index
      %get3A_346 = tpu.vector_load %arg5[%get3A_344, %get3A_345] {strides = array<i32>} : memref<200x512xi32, #tpu.memory_space<vmem>>, vector<16xi32>,
      %add3A_347 = arith.addi %add3A_327, %get3A_346 : vector<16xi32>
      %get3A_348 = arith.constant 9 : i32
      %get3A_349 = arith.index_cast %get3A_348 : i32 to index
      %get3A_350 = arith.index_cast %mul3A_294 : i32 to index
      %get3A_351 = tpu.vector_load %arg5[%get3A_349, %get3A_350] {strides = array<i32>} : memref<200x512xi32, #tpu.memory_space<vmem>>, vector<16xi32>,
      %add3A_352 = arith.addi %add3A_332, %get3A_351 : vector<16xi32>
      %get3A_353 = arith.constant 10 : i32
      %get3A_354 = arith.index_cast %get3A_353 : i32 to index
      %get3A_355 = arith.index_cast %mul3A_294 : i32 to index
      %get3A_356 = tpu.vector_load %arg5[%get3A_354, %get3A_355] {strides = array<i32>} : memref<200x512xi32, #tpu.memory_space<vmem>>, vector<16xi32>,
      %add3A_357 = arith.addi %add3A_337, %get3A_356 : vector<16xi32>
      %get3A_358 = arith.constant 11 : i32
      %get3A_359 = arith.index_cast %get3A_358 : i32 to index
      %get3A_360 = arith.index_cast %mul3A_294 : i32 to index
      %get3A_361 = tpu.vector_load %arg5[%get3A_359, %get3A_360] {strides = array<i32>} : memref<200x512xi32, #tpu.memory_space<vmem>>, vector<16xi32>,
      %add3A_362 = arith.addi %add3A_342, %get3A_361 : vector<16xi32>
      %get3A_363 = arith.constant 12 : i32
      %get3A_364 = arith.index_cast %get3A_363 : i32 to index
      %get3A_365 = arith.index_cast %mul3A_294 : i32 to index
      %get3A_366 = tpu.vector_load %arg5[%get3A_364, %get3A_365] {strides = array<i32>} : memref<200x512xi32, #tpu.memory_space<vmem>>, vector<16xi32>,
      %add3A_367 = arith.addi %add3A_347, %get3A_366 : vector<16xi32>
      %get3A_368 = arith.constant 13 : i32
      %get3A_369 = arith.index_cast %get3A_368 : i32 to index
      %get3A_370 = arith.index_cast %mul3A_294 : i32 to index
      %get3A_371 = tpu.vector_load %arg5[%get3A_369, %get3A_370] {strides = array<i32>} : memref<200x512xi32, #tpu.memory_space<vmem>>, vector<16xi32>,
      %add3A_372 = arith.addi %add3A_352, %get3A_371 : vector<16xi32>
      %get3A_373 = arith.constant 14 : i32
      %get3A_374 = arith.index_cast %get3A_373 : i32 to index
      %get3A_375 = arith.index_cast %mul3A_294 : i32 to index
      %get3A_376 = tpu.vector_load %arg5[%get3A_374, %get3A_375] {strides = array<i32>} : memref<200x512xi32, #tpu.memory_space<vmem>>, vector<16xi32>,
      %add3A_377 = arith.addi %add3A_357, %get3A_376 : vector<16xi32>
      %get3A_378 = arith.constant 15 : i32
      %get3A_379 = arith.index_cast %get3A_378 : i32 to index
      %get3A_380 = arith.index_cast %mul3A_294 : i32 to index
      %get3A_381 = tpu.vector_load %arg5[%get3A_379, %get3A_380] {strides = array<i32>} : memref<200x512xi32, #tpu.memory_space<vmem>>, vector<16xi32>,
      %add3A_382 = arith.addi %add3A_362, %get3A_381 : vector<16xi32>
      %get3A_383 = arith.constant 16 : i32
      %get3A_384 = arith.index_cast %get3A_383 : i32 to index
      %get3A_385 = arith.index_cast %mul3A_294 : i32 to index
      %get3A_386 = tpu.vector_load %arg5[%get3A_384, %get3A_385] {strides = array<i32>} : memref<200x512xi32, #tpu.memory_space<vmem>>, vector<16xi32>,
      %add3A_387 = arith.addi %add3A_367, %get3A_386 : vector<16xi32>
      %get3A_388 = arith.constant 17 : i32
      %get3A_389 = arith.index_cast %get3A_388 : i32 to index
      %get3A_390 = arith.index_cast %mul3A_294 : i32 to index
      %get3A_391 = tpu.vector_load %arg5[%get3A_389, %get3A_390] {strides = array<i32>} : memref<200x512xi32, #tpu.memory_space<vmem>>, vector<16xi32>,
      %add3A_392 = arith.addi %add3A_372, %get3A_391 : vector<16xi32>
      %get3A_393 = arith.constant 18 : i32
      %get3A_394 = arith.index_cast %get3A_393 : i32 to index
      %get3A_395 = arith.index_cast %mul3A_294 : i32 to index
      %get3A_396 = tpu.vector_load %arg5[%get3A_394, %get3A_395] {strides = array<i32>} : memref<200x512xi32, #tpu.memory_space<vmem>>, vector<16xi32>,
      %add3A_397 = arith.addi %add3A_377, %get3A_396 : vector<16xi32>
      %get3A_398 = arith.constant 19 : i32
      %get3A_399 = arith.index_cast %get3A_398 : i32 to index
      %get3A_400 = arith.index_cast %mul3A_294 : i32 to index
      %get3A_401 = tpu.vector_load %arg5[%get3A_399, %get3A_400] {strides = array<i32>} : memref<200x512xi32, #tpu.memory_space<vmem>>, vector<16xi32>,
      %add3A_402 = arith.addi %add3A_382, %get3A_401 : vector<16xi32>
      %get3A_403 = arith.constant 20 : i32
      %get3A_404 = arith.index_cast %get3A_403 : i32 to index
      %get3A_405 = arith.index_cast %mul3A_294 : i32 to index
      %get3A_406 = tpu.vector_load %arg5[%get3A_404, %get3A_405] {strides = array<i32>} : memref<200x512xi32, #tpu.memory_space<vmem>>, vector<16xi32>,
      %add3A_407 = arith.addi %add3A_387, %get3A_406 : vector<16xi32>
      %get3A_408 = arith.constant 21 : i32
      %get3A_409 = arith.index_cast %get3A_408 : i32 to index
      %get3A_410 = arith.index_cast %mul3A_294 : i32 to index
      %get3A_411 = tpu.vector_load %arg5[%get3A_409, %get3A_410] {strides = array<i32>} : memref<200x512xi32, #tpu.memory_space<vmem>>, vector<16xi32>,
      %add3A_412 = arith.addi %add3A_392, %get3A_411 : vector<16xi32>
      %get3A_413 = arith.constant 22 : i32
      %get3A_414 = arith.index_cast %get3A_413 : i32 to index
      %get3A_415 = arith.index_cast %mul3A_294 : i32 to index
      %get3A_416 = tpu.vector_load %arg5[%get3A_414, %get3A_415] {strides = array<i32>} : memref<200x512xi32, #tpu.memory_space<vmem>>, vector<16xi32>,
      %add3A_417 = arith.addi %add3A_397, %get3A_416 : vector<16xi32>
      %get3A_418 = arith.constant 23 : i32
      %get3A_419 = arith.index_cast %get3A_418 : i32 to index
      %get3A_420 = arith.index_cast %mul3A_294 : i32 to index
      %get3A_421 = tpu.vector_load %arg5[%get3A_419, %get3A_420] {strides = array<i32>} : memref<200x512xi32, #tpu.memory_space<vmem>>, vector<16xi32>,
      %add3A_422 = arith.addi %add3A_402, %get3A_421 : vector<16xi32>
      %get3A_423 = arith.constant 24 : i32
      %get3A_424 = arith.index_cast %get3A_423 : i32 to index
      %get3A_425 = arith.index_cast %mul3A_294 : i32 to index
      %get3A_426 = tpu.vector_load %arg5[%get3A_424, %get3A_425] {strides = array<i32>} : memref<200x512xi32, #tpu.memory_space<vmem>>, vector<16xi32>,
      %add3A_427 = arith.addi %add3A_407, %get3A_426 : vector<16xi32>
      %get3A_428 = arith.constant 25 : i32
      %get3A_429 = arith.index_cast %get3A_428 : i32 to index
      %get3A_430 = arith.index_cast %mul3A_294 : i32 to index
      %get3A_431 = tpu.vector_load %arg5[%get3A_429, %get3A_430] {strides = array<i32>} : memref<200x512xi32, #tpu.memory_space<vmem>>, vector<16xi32>,
      %add3A_432 = arith.addi %add3A_412, %get3A_431 : vector<16xi32>
      %get3A_433 = arith.constant 26 : i32
      %get3A_434 = arith.index_cast %get3A_433 : i32 to index
      %get3A_435 = arith.index_cast %mul3A_294 : i32 to index
      %get3A_436 = tpu.vector_load %arg5[%get3A_434, %get3A_435] {strides = array<i32>} : memref<200x512xi32, #tpu.memory_space<vmem>>, vector<16xi32>,
      %add3A_437 = arith.addi %add3A_417, %get3A_436 : vector<16xi32>
      %get3A_438 = arith.constant 27 : i32
      %get3A_439 = arith.index_cast %get3A_438 : i32 to index
      %get3A_440 = arith.index_cast %mul3A_294 : i32 to index
      %get3A_441 = tpu.vector_load %arg5[%get3A_439, %get3A_440] {strides = array<i32>} : memref<200x512xi32, #tpu.memory_space<vmem>>, vector<16xi32>,
      %add3A_442 = arith.addi %add3A_422, %get3A_441 : vector<16xi32>
      %get3A_443 = arith.constant 28 : i32
      %get3A_444 = arith.index_cast %get3A_443 : i32 to index
      %get3A_445 = arith.index_cast %mul3A_294 : i32 to index
      %get3A_446 = tpu.vector_load %arg5[%get3A_444, %get3A_445] {strides = array<i32>} : memref<200x512xi32, #tpu.memory_space<vmem>>, vector<16xi32>,
      %add3A_447 = arith.addi %add3A_427, %get3A_446 : vector<16xi32>
      %get3A_448 = arith.constant 29 : i32
      %get3A_449 = arith.index_cast %get3A_448 : i32 to index
      %get3A_450 = arith.index_cast %mul3A_294 : i32 to index
      %get3A_451 = tpu.vector_load %arg5[%get3A_449, %get3A_450] {strides = array<i32>} : memref<200x512xi32, #tpu.memory_space<vmem>>, vector<16xi32>,
      %add3A_452 = arith.addi %add3A_432, %get3A_451 : vector<16xi32>
      %get3A_453 = arith.constant 30 : i32
      %get3A_454 = arith.index_cast %get3A_453 : i32 to index
      %get3A_455 = arith.index_cast %mul3A_294 : i32 to index
      %get3A_456 = tpu.vector_load %arg5[%get3A_454, %get3A_455] {strides = array<i32>} : memref<200x512xi32, #tpu.memory_space<vmem>>, vector<16xi32>,
      %add3A_457 = arith.addi %add3A_437, %get3A_456 : vector<16xi32>
      %get3A_458 = arith.constant 31 : i32
      %get3A_459 = arith.index_cast %get3A_458 : i32 to index
      %get3A_460 = arith.index_cast %mul3A_294 : i32 to index
      %get3A_461 = tpu.vector_load %arg5[%get3A_459, %get3A_460] {strides = array<i32>} : memref<200x512xi32, #tpu.memory_space<vmem>>, vector<16xi32>,
      %add3A_462 = arith.addi %add3A_442, %get3A_461 : vector<16xi32>
      %get3A_463 = arith.constant 32 : i32
      %get3A_464 = arith.index_cast %get3A_463 : i32 to index
      %get3A_465 = arith.index_cast %mul3A_294 : i32 to index
      %get3A_466 = tpu.vector_load %arg5[%get3A_464, %get3A_465] {strides = array<i32>} : memref<200x512xi32, #tpu.memory_space<vmem>>, vector<16xi32>,
      %add3A_467 = arith.addi %add3A_447, %get3A_466 : vector<16xi32>
      %get3A_468 = arith.constant 33 : i32
      %get3A_469 = arith.index_cast %get3A_468 : i32 to index
      %get3A_470 = arith.index_cast %mul3A_294 : i32 to index
      %get3A_471 = tpu.vector_load %arg5[%get3A_469, %get3A_470] {strides = array<i32>} : memref<200x512xi32, #tpu.memory_space<vmem>>, vector<16xi32>,
      %add3A_472 = arith.addi %add3A_452, %get3A_471 : vector<16xi32>
      %get3A_473 = arith.constant 34 : i32
      %get3A_474 = arith.index_cast %get3A_473 : i32 to index
      %get3A_475 = arith.index_cast %mul3A_294 : i32 to index
      %get3A_476 = tpu.vector_load %arg5[%get3A_474, %get3A_475] {strides = array<i32>} : memref<200x512xi32, #tpu.memory_space<vmem>>, vector<16xi32>,
      %add3A_477 = arith.addi %add3A_457, %get3A_476 : vector<16xi32>
      %get3A_478 = arith.constant 35 : i32
      %get3A_479 = arith.index_cast %get3A_478 : i32 to index
      %get3A_480 = arith.index_cast %mul3A_294 : i32 to index
      %get3A_481 = tpu.vector_load %arg5[%get3A_479, %get3A_480] {strides = array<i32>} : memref<200x512xi32, #tpu.memory_space<vmem>>, vector<16xi32>,
      %add3A_482 = arith.addi %add3A_462, %get3A_481 : vector<16xi32>
      %get3A_483 = arith.constant 36 : i32
      %get3A_484 = arith.index_cast %get3A_483 : i32 to index
      %get3A_485 = arith.index_cast %mul3A_294 : i32 to index
      %get3A_486 = tpu.vector_load %arg5[%get3A_484, %get3A_485] {strides = array<i32>} : memref<200x512xi32, #tpu.memory_space<vmem>>, vector<16xi32>,
      %add3A_487 = arith.addi %add3A_467, %get3A_486 : vector<16xi32>
      %get3A_488 = arith.constant 37 : i32
      %get3A_489 = arith.index_cast %get3A_488 : i32 to index
      %get3A_490 = arith.index_cast %mul3A_294 : i32 to index
      %get3A_491 = tpu.vector_load %arg5[%get3A_489, %get3A_490] {strides = array<i32>} : memref<200x512xi32, #tpu.memory_space<vmem>>, vector<16xi32>,
      %add3A_492 = arith.addi %add3A_472, %get3A_491 : vector<16xi32>
      %get3A_493 = arith.constant 38 : i32
      %get3A_494 = arith.index_cast %get3A_493 : i32 to index
      %get3A_495 = arith.index_cast %mul3A_294 : i32 to index
      %get3A_496 = tpu.vector_load %arg5[%get3A_494, %get3A_495] {strides = array<i32>} : memref<200x512xi32, #tpu.memory_space<vmem>>, vector<16xi32>,
      %add3A_497 = arith.addi %add3A_477, %get3A_496 : vector<16xi32>
      %get3A_498 = arith.constant 39 : i32
      %get3A_499 = arith.index_cast %get3A_498 : i32 to index
      %get3A_500 = arith.index_cast %mul3A_294 : i32 to index
      %get3A_501 = tpu.vector_load %arg5[%get3A_499, %get3A_500] {strides = array<i32>} : memref<200x512xi32, #tpu.memory_space<vmem>>, vector<16xi32>,
      %add3A_502 = arith.addi %add3A_482, %get3A_501 : vector<16xi32>
      %get3A_503 = arith.constant 40 : i32
      %get3A_504 = arith.index_cast %get3A_503 : i32 to index
      %get3A_505 = arith.index_cast %mul3A_294 : i32 to index
      %get3A_506 = tpu.vector_load %arg5[%get3A_504, %get3A_505] {strides = array<i32>} : memref<200x512xi32, #tpu.memory_space<vmem>>, vector<16xi32>,
      %add3A_507 = arith.addi %add3A_487, %get3A_506 : vector<16xi32>
      %get3A_508 = arith.constant 41 : i32
      %get3A_509 = arith.index_cast %get3A_508 : i32 to index
      %get3A_510 = arith.index_cast %mul3A_294 : i32 to index
      %get3A_511 = tpu.vector_load %arg5[%get3A_509, %get3A_510] {strides = array<i32>} : memref<200x512xi32, #tpu.memory_space<vmem>>, vector<16xi32>,
      %add3A_512 = arith.addi %add3A_492, %get3A_511 : vector<16xi32>
      %get3A_513 = arith.constant 42 : i32
      %get3A_514 = arith.index_cast %get3A_513 : i32 to index
      %get3A_515 = arith.index_cast %mul3A_294 : i32 to index
      %get3A_516 = tpu.vector_load %arg5[%get3A_514, %get3A_515] {strides = array<i32>} : memref<200x512xi32, #tpu.memory_space<vmem>>, vector<16xi32>,
      %add3A_517 = arith.addi %add3A_497, %get3A_516 : vector<16xi32>
      %get3A_518 = arith.constant 43 : i32
      %get3A_519 = arith.index_cast %get3A_518 : i32 to index
      %get3A_520 = arith.index_cast %mul3A_294 : i32 to index
      %get3A_521 = tpu.vector_load %arg5[%get3A_519, %get3A_520] {strides = array<i32>} : memref<200x512xi32, #tpu.memory_space<vmem>>, vector<16xi32>,
      %add3A_522 = arith.addi %add3A_502, %get3A_521 : vector<16xi32>
      %get3A_523 = arith.constant 44 : i32
      %get3A_524 = arith.index_cast %get3A_523 : i32 to index
      %get3A_525 = arith.index_cast %mul3A_294 : i32 to index
      %get3A_526 = tpu.vector_load %arg5[%get3A_524, %get3A_525] {strides = array<i32>} : memref<200x512xi32, #tpu.memory_space<vmem>>, vector<16xi32>,
      %add3A_527 = arith.addi %add3A_507, %get3A_526 : vector<16xi32>
      %get3A_528 = arith.constant 45 : i32
      %get3A_529 = arith.index_cast %get3A_528 : i32 to index
      %get3A_530 = arith.index_cast %mul3A_294 : i32 to index
      %get3A_531 = tpu.vector_load %arg5[%get3A_529, %get3A_530] {strides = array<i32>} : memref<200x512xi32, #tpu.memory_space<vmem>>, vector<16xi32>,
      %add3A_532 = arith.addi %add3A_512, %get3A_531 : vector<16xi32>
      %get3A_533 = arith.constant 46 : i32
      %get3A_534 = arith.index_cast %get3A_533 : i32 to index
      %get3A_535 = arith.index_cast %mul3A_294 : i32 to index
      %get3A_536 = tpu.vector_load %arg5[%get3A_534, %get3A_535] {strides = array<i32>} : memref<200x512xi32, #tpu.memory_space<vmem>>, vector<16xi32>,
      %add3A_537 = arith.addi %add3A_517, %get3A_536 : vector<16xi32>
      %get3A_538 = arith.constant 47 : i32
      %get3A_539 = arith.index_cast %get3A_538 : i32 to index
      %get3A_540 = arith.index_cast %mul3A_294 : i32 to index
      %get3A_541 = tpu.vector_load %arg5[%get3A_539, %get3A_540] {strides = array<i32>} : memref<200x512xi32, #tpu.memory_space<vmem>>, vector<16xi32>,
      %add3A_542 = arith.addi %add3A_522, %get3A_541 : vector<16xi32>
      %get3A_543 = arith.constant 48 : i32
      %get3A_544 = arith.index_cast %get3A_543 : i32 to index
      %get3A_545 = arith.index_cast %mul3A_294 : i32 to index
      %get3A_546 = tpu.vector_load %arg5[%get3A_544, %get3A_545] {strides = array<i32>} : memref<200x512xi32, #tpu.memory_space<vmem>>, vector<16xi32>,
      %add3A_547 = arith.addi %add3A_527, %get3A_546 : vector<16xi32>
      %get3A_548 = arith.constant 49 : i32
      %get3A_549 = arith.index_cast %get3A_548 : i32 to index
      %get3A_550 = arith.index_cast %mul3A_294 : i32 to index
      %get3A_551 = tpu.vector_load %arg5[%get3A_549, %get3A_550] {strides = array<i32>} : memref<200x512xi32, #tpu.memory_space<vmem>>, vector<16xi32>,
      %add3A_552 = arith.addi %add3A_532, %get3A_551 : vector<16xi32>
      %get3A_553 = arith.constant 50 : i32
      %get3A_554 = arith.index_cast %get3A_553 : i32 to index
      %get3A_555 = arith.index_cast %mul3A_294 : i32 to index
      %get3A_556 = tpu.vector_load %arg5[%get3A_554, %get3A_555] {strides = array<i32>} : memref<200x512xi32, #tpu.memory_space<vmem>>, vector<16xi32>,
      %add3A_557 = arith.addi %add3A_537, %get3A_556 : vector<16xi32>
      %get3A_558 = arith.constant 51 : i32
      %get3A_559 = arith.index_cast %get3A_558 : i32 to index
      %get3A_560 = arith.index_cast %mul3A_294 : i32 to index
      %get3A_561 = tpu.vector_load %arg5[%get3A_559, %get3A_560] {strides = array<i32>} : memref<200x512xi32, #tpu.memory_space<vmem>>, vector<16xi32>,
      %add3A_562 = arith.addi %add3A_542, %get3A_561 : vector<16xi32>
      %get3A_563 = arith.constant 52 : i32
      %get3A_564 = arith.index_cast %get3A_563 : i32 to index
      %get3A_565 = arith.index_cast %mul3A_294 : i32 to index
      %get3A_566 = tpu.vector_load %arg5[%get3A_564, %get3A_565] {strides = array<i32>} : memref<200x512xi32, #tpu.memory_space<vmem>>, vector<16xi32>,
      %add3A_567 = arith.addi %add3A_547, %get3A_566 : vector<16xi32>
      %get3A_568 = arith.constant 53 : i32
      %get3A_569 = arith.index_cast %get3A_568 : i32 to index
      %get3A_570 = arith.index_cast %mul3A_294 : i32 to index
      %get3A_571 = tpu.vector_load %arg5[%get3A_569, %get3A_570] {strides = array<i32>} : memref<200x512xi32, #tpu.memory_space<vmem>>, vector<16xi32>,
      %add3A_572 = arith.addi %add3A_552, %get3A_571 : vector<16xi32>
      %get3A_573 = arith.constant 54 : i32
      %get3A_574 = arith.index_cast %get3A_573 : i32 to index
      %get3A_575 = arith.index_cast %mul3A_294 : i32 to index
      %get3A_576 = tpu.vector_load %arg5[%get3A_574, %get3A_575] {strides = array<i32>} : memref<200x512xi32, #tpu.memory_space<vmem>>, vector<16xi32>,
      %add3A_577 = arith.addi %add3A_557, %get3A_576 : vector<16xi32>
      %get3A_578 = arith.constant 55 : i32
      %get3A_579 = arith.index_cast %get3A_578 : i32 to index
      %get3A_580 = arith.index_cast %mul3A_294 : i32 to index
      %get3A_581 = tpu.vector_load %arg5[%get3A_579, %get3A_580] {strides = array<i32>} : memref<200x512xi32, #tpu.memory_space<vmem>>, vector<16xi32>,
      %add3A_582 = arith.addi %add3A_562, %get3A_581 : vector<16xi32>
      %get3A_583 = arith.constant 56 : i32
      %get3A_584 = arith.index_cast %get3A_583 : i32 to index
      %get3A_585 = arith.index_cast %mul3A_294 : i32 to index
      %get3A_586 = tpu.vector_load %arg5[%get3A_584, %get3A_585] {strides = array<i32>} : memref<200x512xi32, #tpu.memory_space<vmem>>, vector<16xi32>,
      %add3A_587 = arith.addi %add3A_567, %get3A_586 : vector<16xi32>
      %get3A_588 = arith.constant 57 : i32
      %get3A_589 = arith.index_cast %get3A_588 : i32 to index
      %get3A_590 = arith.index_cast %mul3A_294 : i32 to index
      %get3A_591 = tpu.vector_load %arg5[%get3A_589, %get3A_590] {strides = array<i32>} : memref<200x512xi32, #tpu.memory_space<vmem>>, vector<16xi32>,
      %add3A_592 = arith.addi %add3A_572, %get3A_591 : vector<16xi32>
      %get3A_593 = arith.constant 58 : i32
      %get3A_594 = arith.index_cast %get3A_593 : i32 to index
      %get3A_595 = arith.index_cast %mul3A_294 : i32 to index
      %get3A_596 = tpu.vector_load %arg5[%get3A_594, %get3A_595] {strides = array<i32>} : memref<200x512xi32, #tpu.memory_space<vmem>>, vector<16xi32>,
      %add3A_597 = arith.addi %add3A_577, %get3A_596 : vector<16xi32>
      %get3A_598 = arith.constant 59 : i32
      %get3A_599 = arith.index_cast %get3A_598 : i32 to index
      %get3A_600 = arith.index_cast %mul3A_294 : i32 to index
      %get3A_601 = tpu.vector_load %arg5[%get3A_599, %get3A_600] {strides = array<i32>} : memref<200x512xi32, #tpu.memory_space<vmem>>, vector<16xi32>,
      %add3A_602 = arith.addi %add3A_582, %get3A_601 : vector<16xi32>
      %get3A_603 = arith.constant 60 : i32
      %get3A_604 = arith.index_cast %get3A_603 : i32 to index
      %get3A_605 = arith.index_cast %mul3A_294 : i32 to index
      %get3A_606 = tpu.vector_load %arg5[%get3A_604, %get3A_605] {strides = array<i32>} : memref<200x512xi32, #tpu.memory_space<vmem>>, vector<16xi32>,
      %add3A_607 = arith.addi %add3A_587, %get3A_606 : vector<16xi32>
      %get3A_608 = arith.constant 61 : i32
      %get3A_609 = arith.index_cast %get3A_608 : i32 to index
      %get3A_610 = arith.index_cast %mul3A_294 : i32 to index
      %get3A_611 = tpu.vector_load %arg5[%get3A_609, %get3A_610] {strides = array<i32>} : memref<200x512xi32, #tpu.memory_space<vmem>>, vector<16xi32>,
      %add3A_612 = arith.addi %add3A_592, %get3A_611 : vector<16xi32>
      %get3A_613 = arith.constant 62 : i32
      %get3A_614 = arith.index_cast %get3A_613 : i32 to index
      %get3A_615 = arith.index_cast %mul3A_294 : i32 to index
      %get3A_616 = tpu.vector_load %arg5[%get3A_614, %get3A_615] {strides = array<i32>} : memref<200x512xi32, #tpu.memory_space<vmem>>, vector<16xi32>,
      %add3A_617 = arith.addi %add3A_597, %get3A_616 : vector<16xi32>
      %get3A_618 = arith.constant 63 : i32
      %get3A_619 = arith.index_cast %get3A_618 : i32 to index
      %get3A_620 = arith.index_cast %mul3A_294 : i32 to index
      %get3A_621 = tpu.vector_load %arg5[%get3A_619, %get3A_620] {strides = array<i32>} : memref<200x512xi32, #tpu.memory_space<vmem>>, vector<16xi32>,
      %add3A_622 = arith.addi %add3A_602, %get3A_621 : vector<16xi32>
      %get3A_623 = arith.constant 64 : i32
      %get3A_624 = arith.index_cast %get3A_623 : i32 to index
      %get3A_625 = arith.index_cast %mul3A_294 : i32 to index
      %get3A_626 = tpu.vector_load %arg5[%get3A_624, %get3A_625] {strides = array<i32>} : memref<200x512xi32, #tpu.memory_space<vmem>>, vector<16xi32>,
      %add3A_627 = arith.addi %add3A_607, %get3A_626 : vector<16xi32>
      %get3A_628 = arith.constant 65 : i32
      %get3A_629 = arith.index_cast %get3A_628 : i32 to index
      %get3A_630 = arith.index_cast %mul3A_294 : i32 to index
      %get3A_631 = tpu.vector_load %arg5[%get3A_629, %get3A_630] {strides = array<i32>} : memref<200x512xi32, #tpu.memory_space<vmem>>, vector<16xi32>,
      %add3A_632 = arith.addi %add3A_612, %get3A_631 : vector<16xi32>
      %get3A_633 = arith.constant 66 : i32
      %get3A_634 = arith.index_cast %get3A_633 : i32 to index
      %get3A_635 = arith.index_cast %mul3A_294 : i32 to index
      %get3A_636 = tpu.vector_load %arg5[%get3A_634, %get3A_635] {strides = array<i32>} : memref<200x512xi32, #tpu.memory_space<vmem>>, vector<16xi32>,
      %add3A_637 = arith.addi %add3A_617, %get3A_636 : vector<16xi32>
      %get3A_638 = arith.constant 67 : i32
      %get3A_639 = arith.index_cast %get3A_638 : i32 to index
      %get3A_640 = arith.index_cast %mul3A_294 : i32 to index
      %get3A_641 = tpu.vector_load %arg5[%get3A_639, %get3A_640] {strides = array<i32>} : memref<200x512xi32, #tpu.memory_space<vmem>>, vector<16xi32>,
      %add3A_642 = arith.addi %add3A_622, %get3A_641 : vector<16xi32>
      %get3A_643 = arith.constant 68 : i32
      %get3A_644 = arith.index_cast %get3A_643 : i32 to index
      %get3A_645 = arith.index_cast %mul3A_294 : i32 to index
      %get3A_646 = tpu.vector_load %arg5[%get3A_644, %get3A_645] {strides = array<i32>} : memref<200x512xi32, #tpu.memory_space<vmem>>, vector<16xi32>,
      %add3A_647 = arith.addi %add3A_627, %get3A_646 : vector<16xi32>
      %get3A_648 = arith.constant 69 : i32
      %get3A_649 = arith.index_cast %get3A_648 : i32 to index
      %get3A_650 = arith.index_cast %mul3A_294 : i32 to index
      %get3A_651 = tpu.vector_load %arg5[%get3A_649, %get3A_650] {strides = array<i32>} : memref<200x512xi32, #tpu.memory_space<vmem>>, vector<16xi32>,
      %add3A_652 = arith.addi %add3A_632, %get3A_651 : vector<16xi32>
      %get3A_653 = arith.constant 70 : i32
      %get3A_654 = arith.index_cast %get3A_653 : i32 to index
      %get3A_655 = arith.index_cast %mul3A_294 : i32 to index
      %get3A_656 = tpu.vector_load %arg5[%get3A_654, %get3A_655] {strides = array<i32>} : memref<200x512xi32, #tpu.memory_space<vmem>>, vector<16xi32>,
      %add3A_657 = arith.addi %add3A_637, %get3A_656 : vector<16xi32>
      %get3A_658 = arith.constant 71 : i32
      %get3A_659 = arith.index_cast %get3A_658 : i32 to index
      %get3A_660 = arith.index_cast %mul3A_294 : i32 to index
      %get3A_661 = tpu.vector_load %arg5[%get3A_659, %get3A_660] {strides = array<i32>} : memref<200x512xi32, #tpu.memory_space<vmem>>, vector<16xi32>,
      %add3A_662 = arith.addi %add3A_642, %get3A_661 : vector<16xi32>
      %get3A_663 = arith.constant 72 : i32
      %get3A_664 = arith.index_cast %get3A_663 : i32 to index
      %get3A_665 = arith.index_cast %mul3A_294 : i32 to index
      %get3A_666 = tpu.vector_load %arg5[%get3A_664, %get3A_665] {strides = array<i32>} : memref<200x512xi32, #tpu.memory_space<vmem>>, vector<16xi32>,
      %add3A_667 = arith.addi %add3A_647, %get3A_666 : vector<16xi32>
      %get3A_668 = arith.constant 73 : i32
      %get3A_669 = arith.index_cast %get3A_668 : i32 to index
      %get3A_670 = arith.index_cast %mul3A_294 : i32 to index
      %get3A_671 = tpu.vector_load %arg5[%get3A_669, %get3A_670] {strides = array<i32>} : memref<200x512xi32, #tpu.memory_space<vmem>>, vector<16xi32>,
      %add3A_672 = arith.addi %add3A_652, %get3A_671 : vector<16xi32>
      %get3A_673 = arith.constant 74 : i32
      %get3A_674 = arith.index_cast %get3A_673 : i32 to index
      %get3A_675 = arith.index_cast %mul3A_294 : i32 to index
      %get3A_676 = tpu.vector_load %arg5[%get3A_674, %get3A_675] {strides = array<i32>} : memref<200x512xi32, #tpu.memory_space<vmem>>, vector<16xi32>,
      %add3A_677 = arith.addi %add3A_657, %get3A_676 : vector<16xi32>
      %get3A_678 = arith.constant 75 : i32
      %get3A_679 = arith.index_cast %get3A_678 : i32 to index
      %get3A_680 = arith.index_cast %mul3A_294 : i32 to index
      %get3A_681 = tpu.vector_load %arg5[%get3A_679, %get3A_680] {strides = array<i32>} : memref<200x512xi32, #tpu.memory_space<vmem>>, vector<16xi32>,
      %add3A_682 = arith.addi %add3A_662, %get3A_681 : vector<16xi32>
      %get3A_683 = arith.constant 76 : i32
      %get3A_684 = arith.index_cast %get3A_683 : i32 to index
      %get3A_685 = arith.index_cast %mul3A_294 : i32 to index
      %get3A_686 = tpu.vector_load %arg5[%get3A_684, %get3A_685] {strides = array<i32>} : memref<200x512xi32, #tpu.memory_space<vmem>>, vector<16xi32>,
      %add3A_687 = arith.addi %add3A_667, %get3A_686 : vector<16xi32>
      %get3A_688 = arith.constant 77 : i32
      %get3A_689 = arith.index_cast %get3A_688 : i32 to index
      %get3A_690 = arith.index_cast %mul3A_294 : i32 to index
      %get3A_691 = tpu.vector_load %arg5[%get3A_689, %get3A_690] {strides = array<i32>} : memref<200x512xi32, #tpu.memory_space<vmem>>, vector<16xi32>,
      %add3A_692 = arith.addi %add3A_672, %get3A_691 : vector<16xi32>
      %get3A_693 = arith.constant 78 : i32
      %get3A_694 = arith.index_cast %get3A_693 : i32 to index
      %get3A_695 = arith.index_cast %mul3A_294 : i32 to index
      %get3A_696 = tpu.vector_load %arg5[%get3A_694, %get3A_695] {strides = array<i32>} : memref<200x512xi32, #tpu.memory_space<vmem>>, vector<16xi32>,
      %add3A_697 = arith.addi %add3A_677, %get3A_696 : vector<16xi32>
      %get3A_698 = arith.constant 79 : i32
      %get3A_699 = arith.index_cast %get3A_698 : i32 to index
      %get3A_700 = arith.index_cast %mul3A_294 : i32 to index
      %get3A_701 = tpu.vector_load %arg5[%get3A_699, %get3A_700] {strides = array<i32>} : memref<200x512xi32, #tpu.memory_space<vmem>>, vector<16xi32>,
      %add3A_702 = arith.addi %add3A_682, %get3A_701 : vector<16xi32>
      %get3A_703 = arith.constant 80 : i32
      %get3A_704 = arith.index_cast %get3A_703 : i32 to index
      %get3A_705 = arith.index_cast %mul3A_294 : i32 to index
      %get3A_706 = tpu.vector_load %arg5[%get3A_704, %get3A_705] {strides = array<i32>} : memref<200x512xi32, #tpu.memory_space<vmem>>, vector<16xi32>,
      %add3A_707 = arith.addi %add3A_687, %get3A_706 : vector<16xi32>
      %get3A_708 = arith.constant 81 : i32
      %get3A_709 = arith.index_cast %get3A_708 : i32 to index
      %get3A_710 = arith.index_cast %mul3A_294 : i32 to index
      %get3A_711 = tpu.vector_load %arg5[%get3A_709, %get3A_710] {strides = array<i32>} : memref<200x512xi32, #tpu.memory_space<vmem>>, vector<16xi32>,
      %add3A_712 = arith.addi %add3A_692, %get3A_711 : vector<16xi32>
      %get3A_713 = arith.constant 82 : i32
      %get3A_714 = arith.index_cast %get3A_713 : i32 to index
      %get3A_715 = arith.index_cast %mul3A_294 : i32 to index
      %get3A_716 = tpu.vector_load %arg5[%get3A_714, %get3A_715] {strides = array<i32>} : memref<200x512xi32, #tpu.memory_space<vmem>>, vector<16xi32>,
      %add3A_717 = arith.addi %add3A_697, %get3A_716 : vector<16xi32>
      %get3A_718 = arith.constant 83 : i32
      %get3A_719 = arith.index_cast %get3A_718 : i32 to index
      %get3A_720 = arith.index_cast %mul3A_294 : i32 to index
      %get3A_721 = tpu.vector_load %arg5[%get3A_719, %get3A_720] {strides = array<i32>} : memref<200x512xi32, #tpu.memory_space<vmem>>, vector<16xi32>,
      %add3A_722 = arith.addi %add3A_702, %get3A_721 : vector<16xi32>
      %get3A_723 = arith.constant 84 : i32
      %get3A_724 = arith.index_cast %get3A_723 : i32 to index
      %get3A_725 = arith.index_cast %mul3A_294 : i32 to index
      %get3A_726 = tpu.vector_load %arg5[%get3A_724, %get3A_725] {strides = array<i32>} : memref<200x512xi32, #tpu.memory_space<vmem>>, vector<16xi32>,
      %add3A_727 = arith.addi %add3A_707, %get3A_726 : vector<16xi32>
      %get3A_728 = arith.constant 85 : i32
      %get3A_729 = arith.index_cast %get3A_728 : i32 to index
      %get3A_730 = arith.index_cast %mul3A_294 : i32 to index
      %get3A_731 = tpu.vector_load %arg5[%get3A_729, %get3A_730] {strides = array<i32>} : memref<200x512xi32, #tpu.memory_space<vmem>>, vector<16xi32>,
      %add3A_732 = arith.addi %add3A_712, %get3A_731 : vector<16xi32>
      %get3A_733 = arith.constant 86 : i32
      %get3A_734 = arith.index_cast %get3A_733 : i32 to index
      %get3A_735 = arith.index_cast %mul3A_294 : i32 to index
      %get3A_736 = tpu.vector_load %arg5[%get3A_734, %get3A_735] {strides = array<i32>} : memref<200x512xi32, #tpu.memory_space<vmem>>, vector<16xi32>,
      %add3A_737 = arith.addi %add3A_717, %get3A_736 : vector<16xi32>
      %get3A_738 = arith.constant 87 : i32
      %get3A_739 = arith.index_cast %get3A_738 : i32 to index
      %get3A_740 = arith.index_cast %mul3A_294 : i32 to index
      %get3A_741 = tpu.vector_load %arg5[%get3A_739, %get3A_740] {strides = array<i32>} : memref<200x512xi32, #tpu.memory_space<vmem>>, vector<16xi32>,
      %add3A_742 = arith.addi %add3A_722, %get3A_741 : vector<16xi32>
      %get3A_743 = arith.constant 88 : i32
      %get3A_744 = arith.index_cast %get3A_743 : i32 to index
      %get3A_745 = arith.index_cast %mul3A_294 : i32 to index
      %get3A_746 = tpu.vector_load %arg5[%get3A_744, %get3A_745] {strides = array<i32>} : memref<200x512xi32, #tpu.memory_space<vmem>>, vector<16xi32>,
      %add3A_747 = arith.addi %add3A_727, %get3A_746 : vector<16xi32>
      %get3A_748 = arith.constant 89 : i32
      %get3A_749 = arith.index_cast %get3A_748 : i32 to index
      %get3A_750 = arith.index_cast %mul3A_294 : i32 to index
      %get3A_751 = tpu.vector_load %arg5[%get3A_749, %get3A_750] {strides = array<i32>} : memref<200x512xi32, #tpu.memory_space<vmem>>, vector<16xi32>,
      %add3A_752 = arith.addi %add3A_732, %get3A_751 : vector<16xi32>
      %get3A_753 = arith.constant 90 : i32
      %get3A_754 = arith.index_cast %get3A_753 : i32 to index
      %get3A_755 = arith.index_cast %mul3A_294 : i32 to index
      %get3A_756 = tpu.vector_load %arg5[%get3A_754, %get3A_755] {strides = array<i32>} : memref<200x512xi32, #tpu.memory_space<vmem>>, vector<16xi32>,
      %add3A_757 = arith.addi %add3A_737, %get3A_756 : vector<16xi32>
      %get3A_758 = arith.constant 91 : i32
      %get3A_759 = arith.index_cast %get3A_758 : i32 to index
      %get3A_760 = arith.index_cast %mul3A_294 : i32 to index
      %get3A_761 = tpu.vector_load %arg5[%get3A_759, %get3A_760] {strides = array<i32>} : memref<200x512xi32, #tpu.memory_space<vmem>>, vector<16xi32>,
      %add3A_762 = arith.addi %add3A_742, %get3A_761 : vector<16xi32>
      %get3A_763 = arith.constant 92 : i32
      %get3A_764 = arith.index_cast %get3A_763 : i32 to index
      %get3A_765 = arith.index_cast %mul3A_294 : i32 to index
      %get3A_766 = tpu.vector_load %arg5[%get3A_764, %get3A_765] {strides = array<i32>} : memref<200x512xi32, #tpu.memory_space<vmem>>, vector<16xi32>,
      %add3A_767 = arith.addi %add3A_747, %get3A_766 : vector<16xi32>
      %get3A_768 = arith.constant 93 : i32
      %get3A_769 = arith.index_cast %get3A_768 : i32 to index
      %get3A_770 = arith.index_cast %mul3A_294 : i32 to index
      %get3A_771 = tpu.vector_load %arg5[%get3A_769, %get3A_770] {strides = array<i32>} : memref<200x512xi32, #tpu.memory_space<vmem>>, vector<16xi32>,
      %add3A_772 = arith.addi %add3A_752, %get3A_771 : vector<16xi32>
      %get3A_773 = arith.constant 94 : i32
      %get3A_774 = arith.index_cast %get3A_773 : i32 to index
      %get3A_775 = arith.index_cast %mul3A_294 : i32 to index
      %get3A_776 = tpu.vector_load %arg5[%get3A_774, %get3A_775] {strides = array<i32>} : memref<200x512xi32, #tpu.memory_space<vmem>>, vector<16xi32>,
      %add3A_777 = arith.addi %add3A_757, %get3A_776 : vector<16xi32>
      %get3A_778 = arith.constant 95 : i32
      %get3A_779 = arith.index_cast %get3A_778 : i32 to index
      %get3A_780 = arith.index_cast %mul3A_294 : i32 to index
      %get3A_781 = tpu.vector_load %arg5[%get3A_779, %get3A_780] {strides = array<i32>} : memref<200x512xi32, #tpu.memory_space<vmem>>, vector<16xi32>,
      %add3A_782 = arith.addi %add3A_762, %get3A_781 : vector<16xi32>
      %get3A_783 = arith.constant 96 : i32
      %get3A_784 = arith.index_cast %get3A_783 : i32 to index
      %get3A_785 = arith.index_cast %mul3A_294 : i32 to index
      %get3A_786 = tpu.vector_load %arg5[%get3A_784, %get3A_785] {strides = array<i32>} : memref<200x512xi32, #tpu.memory_space<vmem>>, vector<16xi32>,
      %add3A_787 = arith.addi %add3A_767, %get3A_786 : vector<16xi32>
      %get3A_788 = arith.constant 97 : i32
      %get3A_789 = arith.index_cast %get3A_788 : i32 to index
      %get3A_790 = arith.index_cast %mul3A_294 : i32 to index
      %get3A_791 = tpu.vector_load %arg5[%get3A_789, %get3A_790] {strides = array<i32>} : memref<200x512xi32, #tpu.memory_space<vmem>>, vector<16xi32>,
      %add3A_792 = arith.addi %add3A_772, %get3A_791 : vector<16xi32>
      %get3A_793 = arith.constant 98 : i32
      %get3A_794 = arith.index_cast %get3A_793 : i32 to index
      %get3A_795 = arith.index_cast %mul3A_294 : i32 to index
      %get3A_796 = tpu.vector_load %arg5[%get3A_794, %get3A_795] {strides = array<i32>} : memref<200x512xi32, #tpu.memory_space<vmem>>, vector<16xi32>,
      %add3A_797 = arith.addi %add3A_777, %get3A_796 : vector<16xi32>
      %get3A_798 = arith.constant 99 : i32
      %get3A_799 = arith.index_cast %get3A_798 : i32 to index
      %get3A_800 = arith.index_cast %mul3A_294 : i32 to index
      %get3A_801 = tpu.vector_load %arg5[%get3A_799, %get3A_800] {strides = array<i32>} : memref<200x512xi32, #tpu.memory_space<vmem>>, vector<16xi32>,
      %add3A_802 = arith.addi %add3A_782, %get3A_801 : vector<16xi32>
      %get3A_803 = arith.constant 100 : i32
      %get3A_804 = arith.index_cast %get3A_803 : i32 to index
      %get3A_805 = arith.index_cast %mul3A_294 : i32 to index
      %get3A_806 = tpu.vector_load %arg5[%get3A_804, %get3A_805] {strides = array<i32>} : memref<200x512xi32, #tpu.memory_space<vmem>>, vector<16xi32>,
      %add3A_807 = arith.addi %add3A_787, %get3A_806 : vector<16xi32>
      %get3A_808 = arith.constant 101 : i32
      %get3A_809 = arith.index_cast %get3A_808 : i32 to index
      %get3A_810 = arith.index_cast %mul3A_294 : i32 to index
      %get3A_811 = tpu.vector_load %arg5[%get3A_809, %get3A_810] {strides = array<i32>} : memref<200x512xi32, #tpu.memory_space<vmem>>, vector<16xi32>,
      %add3A_812 = arith.addi %add3A_792, %get3A_811 : vector<16xi32>
      %get3A_813 = arith.constant 102 : i32
      %get3A_814 = arith.index_cast %get3A_813 : i32 to index
      %get3A_815 = arith.index_cast %mul3A_294 : i32 to index
      %get3A_816 = tpu.vector_load %arg5[%get3A_814, %get3A_815] {strides = array<i32>} : memref<200x512xi32, #tpu.memory_space<vmem>>, vector<16xi32>,
      %add3A_817 = arith.addi %add3A_797, %get3A_816 : vector<16xi32>
      %get3A_818 = arith.constant 103 : i32
      %get3A_819 = arith.index_cast %get3A_818 : i32 to index
      %get3A_820 = arith.index_cast %mul3A_294 : i32 to index
      %get3A_821 = tpu.vector_load %arg5[%get3A_819, %get3A_820] {strides = array<i32>} : memref<200x512xi32, #tpu.memory_space<vmem>>, vector<16xi32>,
      %add3A_822 = arith.addi %add3A_802, %get3A_821 : vector<16xi32>
      %get3A_823 = arith.constant 104 : i32
      %get3A_824 = arith.index_cast %get3A_823 : i32 to index
      %get3A_825 = arith.index_cast %mul3A_294 : i32 to index
      %get3A_826 = tpu.vector_load %arg5[%get3A_824, %get3A_825] {strides = array<i32>} : memref<200x512xi32, #tpu.memory_space<vmem>>, vector<16xi32>,
      %add3A_827 = arith.addi %add3A_807, %get3A_826 : vector<16xi32>
      %get3A_828 = arith.constant 105 : i32
      %get3A_829 = arith.index_cast %get3A_828 : i32 to index
      %get3A_830 = arith.index_cast %mul3A_294 : i32 to index
      %get3A_831 = tpu.vector_load %arg5[%get3A_829, %get3A_830] {strides = array<i32>} : memref<200x512xi32, #tpu.memory_space<vmem>>, vector<16xi32>,
      %add3A_832 = arith.addi %add3A_812, %get3A_831 : vector<16xi32>
      %get3A_833 = arith.constant 106 : i32
      %get3A_834 = arith.index_cast %get3A_833 : i32 to index
      %get3A_835 = arith.index_cast %mul3A_294 : i32 to index
      %get3A_836 = tpu.vector_load %arg5[%get3A_834, %get3A_835] {strides = array<i32>} : memref<200x512xi32, #tpu.memory_space<vmem>>, vector<16xi32>,
      %add3A_837 = arith.addi %add3A_817, %get3A_836 : vector<16xi32>
      %get3A_838 = arith.constant 107 : i32
      %get3A_839 = arith.index_cast %get3A_838 : i32 to index
      %get3A_840 = arith.index_cast %mul3A_294 : i32 to index
      %get3A_841 = tpu.vector_load %arg5[%get3A_839, %get3A_840] {strides = array<i32>} : memref<200x512xi32, #tpu.memory_space<vmem>>, vector<16xi32>,
      %add3A_842 = arith.addi %add3A_822, %get3A_841 : vector<16xi32>
      %get3A_843 = arith.constant 108 : i32
      %get3A_844 = arith.index_cast %get3A_843 : i32 to index
      %get3A_845 = arith.index_cast %mul3A_294 : i32 to index
      %get3A_846 = tpu.vector_load %arg5[%get3A_844, %get3A_845] {strides = array<i32>} : memref<200x512xi32, #tpu.memory_space<vmem>>, vector<16xi32>,
      %add3A_847 = arith.addi %add3A_827, %get3A_846 : vector<16xi32>
      %get3A_848 = arith.constant 109 : i32
      %get3A_849 = arith.index_cast %get3A_848 : i32 to index
      %get3A_850 = arith.index_cast %mul3A_294 : i32 to index
      %get3A_851 = tpu.vector_load %arg5[%get3A_849, %get3A_850] {strides = array<i32>} : memref<200x512xi32, #tpu.memory_space<vmem>>, vector<16xi32>,
      %add3A_852 = arith.addi %add3A_832, %get3A_851 : vector<16xi32>
      %get3A_853 = arith.constant 110 : i32
      %get3A_854 = arith.index_cast %get3A_853 : i32 to index
      %get3A_855 = arith.index_cast %mul3A_294 : i32 to index
      %get3A_856 = tpu.vector_load %arg5[%get3A_854, %get3A_855] {strides = array<i32>} : memref<200x512xi32, #tpu.memory_space<vmem>>, vector<16xi32>,
      %add3A_857 = arith.addi %add3A_837, %get3A_856 : vector<16xi32>
      %get3A_858 = arith.constant 111 : i32
      %get3A_859 = arith.index_cast %get3A_858 : i32 to index
      %get3A_860 = arith.index_cast %mul3A_294 : i32 to index
      %get3A_861 = tpu.vector_load %arg5[%get3A_859, %get3A_860] {strides = array<i32>} : memref<200x512xi32, #tpu.memory_space<vmem>>, vector<16xi32>,
      %add3A_862 = arith.addi %add3A_842, %get3A_861 : vector<16xi32>
      %get3A_863 = arith.constant 112 : i32
      %get3A_864 = arith.index_cast %get3A_863 : i32 to index
      %get3A_865 = arith.index_cast %mul3A_294 : i32 to index
      %get3A_866 = tpu.vector_load %arg5[%get3A_864, %get3A_865] {strides = array<i32>} : memref<200x512xi32, #tpu.memory_space<vmem>>, vector<16xi32>,
      %add3A_867 = arith.addi %add3A_847, %get3A_866 : vector<16xi32>
      %get3A_868 = arith.constant 113 : i32
      %get3A_869 = arith.index_cast %get3A_868 : i32 to index
      %get3A_870 = arith.index_cast %mul3A_294 : i32 to index
      %get3A_871 = tpu.vector_load %arg5[%get3A_869, %get3A_870] {strides = array<i32>} : memref<200x512xi32, #tpu.memory_space<vmem>>, vector<16xi32>,
      %add3A_872 = arith.addi %add3A_852, %get3A_871 : vector<16xi32>
      %get3A_873 = arith.constant 114 : i32
      %get3A_874 = arith.index_cast %get3A_873 : i32 to index
      %get3A_875 = arith.index_cast %mul3A_294 : i32 to index
      %get3A_876 = tpu.vector_load %arg5[%get3A_874, %get3A_875] {strides = array<i32>} : memref<200x512xi32, #tpu.memory_space<vmem>>, vector<16xi32>,
      %add3A_877 = arith.addi %add3A_857, %get3A_876 : vector<16xi32>
      %get3A_878 = arith.constant 115 : i32
      %get3A_879 = arith.index_cast %get3A_878 : i32 to index
      %get3A_880 = arith.index_cast %mul3A_294 : i32 to index
      %get3A_881 = tpu.vector_load %arg5[%get3A_879, %get3A_880] {strides = array<i32>} : memref<200x512xi32, #tpu.memory_space<vmem>>, vector<16xi32>,
      %add3A_882 = arith.addi %add3A_862, %get3A_881 : vector<16xi32>
      %get3A_883 = arith.constant 116 : i32
      %get3A_884 = arith.index_cast %get3A_883 : i32 to index
      %get3A_885 = arith.index_cast %mul3A_294 : i32 to index
      %get3A_886 = tpu.vector_load %arg5[%get3A_884, %get3A_885] {strides = array<i32>} : memref<200x512xi32, #tpu.memory_space<vmem>>, vector<16xi32>,
      %add3A_887 = arith.addi %add3A_867, %get3A_886 : vector<16xi32>
      %get3A_888 = arith.constant 117 : i32
      %get3A_889 = arith.index_cast %get3A_888 : i32 to index
      %get3A_890 = arith.index_cast %mul3A_294 : i32 to index
      %get3A_891 = tpu.vector_load %arg5[%get3A_889, %get3A_890] {strides = array<i32>} : memref<200x512xi32, #tpu.memory_space<vmem>>, vector<16xi32>,
      %add3A_892 = arith.addi %add3A_872, %get3A_891 : vector<16xi32>
      %get3A_893 = arith.constant 118 : i32
      %get3A_894 = arith.index_cast %get3A_893 : i32 to index
      %get3A_895 = arith.index_cast %mul3A_294 : i32 to index
      %get3A_896 = tpu.vector_load %arg5[%get3A_894, %get3A_895] {strides = array<i32>} : memref<200x512xi32, #tpu.memory_space<vmem>>, vector<16xi32>,
      %add3A_897 = arith.addi %add3A_877, %get3A_896 : vector<16xi32>
      %get3A_898 = arith.constant 119 : i32
      %get3A_899 = arith.index_cast %get3A_898 : i32 to index
      %get3A_900 = arith.index_cast %mul3A_294 : i32 to index
      %get3A_901 = tpu.vector_load %arg5[%get3A_899, %get3A_900] {strides = array<i32>} : memref<200x512xi32, #tpu.memory_space<vmem>>, vector<16xi32>,
      %add3A_902 = arith.addi %add3A_882, %get3A_901 : vector<16xi32>
      %get3A_903 = arith.constant 120 : i32
      %get3A_904 = arith.index_cast %get3A_903 : i32 to index
      %get3A_905 = arith.index_cast %mul3A_294 : i32 to index
      %get3A_906 = tpu.vector_load %arg5[%get3A_904, %get3A_905] {strides = array<i32>} : memref<200x512xi32, #tpu.memory_space<vmem>>, vector<16xi32>,
      %add3A_907 = arith.addi %add3A_887, %get3A_906 : vector<16xi32>
      %get3A_908 = arith.constant 121 : i32
      %get3A_909 = arith.index_cast %get3A_908 : i32 to index
      %get3A_910 = arith.index_cast %mul3A_294 : i32 to index
      %get3A_911 = tpu.vector_load %arg5[%get3A_909, %get3A_910] {strides = array<i32>} : memref<200x512xi32, #tpu.memory_space<vmem>>, vector<16xi32>,
      %add3A_912 = arith.addi %add3A_892, %get3A_911 : vector<16xi32>
      %get3A_913 = arith.constant 122 : i32
      %get3A_914 = arith.index_cast %get3A_913 : i32 to index
      %get3A_915 = arith.index_cast %mul3A_294 : i32 to index
      %get3A_916 = tpu.vector_load %arg5[%get3A_914, %get3A_915] {strides = array<i32>} : memref<200x512xi32, #tpu.memory_space<vmem>>, vector<16xi32>,
      %add3A_917 = arith.addi %add3A_897, %get3A_916 : vector<16xi32>
      %get3A_918 = arith.constant 123 : i32
      %get3A_919 = arith.index_cast %get3A_918 : i32 to index
      %get3A_920 = arith.index_cast %mul3A_294 : i32 to index
      %get3A_921 = tpu.vector_load %arg5[%get3A_919, %get3A_920] {strides = array<i32>} : memref<200x512xi32, #tpu.memory_space<vmem>>, vector<16xi32>,
      %add3A_922 = arith.addi %add3A_902, %get3A_921 : vector<16xi32>
      %get3A_923 = arith.constant 124 : i32
      %get3A_924 = arith.index_cast %get3A_923 : i32 to index
      %get3A_925 = arith.index_cast %mul3A_294 : i32 to index
      %get3A_926 = tpu.vector_load %arg5[%get3A_924, %get3A_925] {strides = array<i32>} : memref<200x512xi32, #tpu.memory_space<vmem>>, vector<16xi32>,
      %add3A_927 = arith.addi %add3A_907, %get3A_926 : vector<16xi32>
      %get3A_928 = arith.constant 125 : i32
      %get3A_929 = arith.index_cast %get3A_928 : i32 to index
      %get3A_930 = arith.index_cast %mul3A_294 : i32 to index
      %get3A_931 = tpu.vector_load %arg5[%get3A_929, %get3A_930] {strides = array<i32>} : memref<200x512xi32, #tpu.memory_space<vmem>>, vector<16xi32>,
      %add3A_932 = arith.addi %add3A_912, %get3A_931 : vector<16xi32>
      %get3A_933 = arith.constant 126 : i32
      %get3A_934 = arith.index_cast %get3A_933 : i32 to index
      %get3A_935 = arith.index_cast %mul3A_294 : i32 to index
      %get3A_936 = tpu.vector_load %arg5[%get3A_934, %get3A_935] {strides = array<i32>} : memref<200x512xi32, #tpu.memory_space<vmem>>, vector<16xi32>,
      %add3A_937 = arith.addi %add3A_917, %get3A_936 : vector<16xi32>
      %get3A_938 = arith.constant 127 : i32
      %get3A_939 = arith.index_cast %get3A_938 : i32 to index
      %get3A_940 = arith.index_cast %mul3A_294 : i32 to index
      %get3A_941 = tpu.vector_load %arg5[%get3A_939, %get3A_940] {strides = array<i32>} : memref<200x512xi32, #tpu.memory_space<vmem>>, vector<16xi32>,
      %add3A_942 = arith.addi %add3A_922, %get3A_941 : vector<16xi32>
      %get3A_943 = arith.constant 128 : i32
      %get3A_944 = arith.index_cast %get3A_943 : i32 to index
      %get3A_945 = arith.index_cast %mul3A_294 : i32 to index
      %get3A_946 = tpu.vector_load %arg5[%get3A_944, %get3A_945] {strides = array<i32>} : memref<200x512xi32, #tpu.memory_space<vmem>>, vector<16xi32>,
      %add3A_947 = arith.addi %add3A_927, %get3A_946 : vector<16xi32>
      %get3A_948 = arith.constant 129 : i32
      %get3A_949 = arith.index_cast %get3A_948 : i32 to index
      %get3A_950 = arith.index_cast %mul3A_294 : i32 to index
      %get3A_951 = tpu.vector_load %arg5[%get3A_949, %get3A_950] {strides = array<i32>} : memref<200x512xi32, #tpu.memory_space<vmem>>, vector<16xi32>,
      %add3A_952 = arith.addi %add3A_932, %get3A_951 : vector<16xi32>
      %get3A_953 = arith.constant 130 : i32
      %get3A_954 = arith.index_cast %get3A_953 : i32 to index
      %get3A_955 = arith.index_cast %mul3A_294 : i32 to index
      %get3A_956 = tpu.vector_load %arg5[%get3A_954, %get3A_955] {strides = array<i32>} : memref<200x512xi32, #tpu.memory_space<vmem>>, vector<16xi32>,
      %add3A_957 = arith.addi %add3A_937, %get3A_956 : vector<16xi32>
      %get3A_958 = arith.constant 131 : i32
      %get3A_959 = arith.index_cast %get3A_958 : i32 to index
      %get3A_960 = arith.index_cast %mul3A_294 : i32 to index
      %get3A_961 = tpu.vector_load %arg5[%get3A_959, %get3A_960] {strides = array<i32>} : memref<200x512xi32, #tpu.memory_space<vmem>>, vector<16xi32>,
      %add3A_962 = arith.addi %add3A_942, %get3A_961 : vector<16xi32>
      %get3A_963 = arith.constant 132 : i32
      %get3A_964 = arith.index_cast %get3A_963 : i32 to index
      %get3A_965 = arith.index_cast %mul3A_294 : i32 to index
      %get3A_966 = tpu.vector_load %arg5[%get3A_964, %get3A_965] {strides = array<i32>} : memref<200x512xi32, #tpu.memory_space<vmem>>, vector<16xi32>,
      %add3A_967 = arith.addi %add3A_947, %get3A_966 : vector<16xi32>
      %get3A_968 = arith.constant 133 : i32
      %get3A_969 = arith.index_cast %get3A_968 : i32 to index
      %get3A_970 = arith.index_cast %mul3A_294 : i32 to index
      %get3A_971 = tpu.vector_load %arg5[%get3A_969, %get3A_970] {strides = array<i32>} : memref<200x512xi32, #tpu.memory_space<vmem>>, vector<16xi32>,
      %add3A_972 = arith.addi %add3A_952, %get3A_971 : vector<16xi32>
      %get3A_973 = arith.constant 134 : i32
      %get3A_974 = arith.index_cast %get3A_973 : i32 to index
      %get3A_975 = arith.index_cast %mul3A_294 : i32 to index
      %get3A_976 = tpu.vector_load %arg5[%get3A_974, %get3A_975] {strides = array<i32>} : memref<200x512xi32, #tpu.memory_space<vmem>>, vector<16xi32>,
      %add3A_977 = arith.addi %add3A_957, %get3A_976 : vector<16xi32>
      %get3A_978 = arith.constant 135 : i32
      %get3A_979 = arith.index_cast %get3A_978 : i32 to index
      %get3A_980 = arith.index_cast %mul3A_294 : i32 to index
      %get3A_981 = tpu.vector_load %arg5[%get3A_979, %get3A_980] {strides = array<i32>} : memref<200x512xi32, #tpu.memory_space<vmem>>, vector<16xi32>,
      %add3A_982 = arith.addi %add3A_962, %get3A_981 : vector<16xi32>
      %get3A_983 = arith.constant 136 : i32
      %get3A_984 = arith.index_cast %get3A_983 : i32 to index
      %get3A_985 = arith.index_cast %mul3A_294 : i32 to index
      %get3A_986 = tpu.vector_load %arg5[%get3A_984, %get3A_985] {strides = array<i32>} : memref<200x512xi32, #tpu.memory_space<vmem>>, vector<16xi32>,
      %add3A_987 = arith.addi %add3A_967, %get3A_986 : vector<16xi32>
      %get3A_988 = arith.constant 137 : i32
      %get3A_989 = arith.index_cast %get3A_988 : i32 to index
      %get3A_990 = arith.index_cast %mul3A_294 : i32 to index
      %get3A_991 = tpu.vector_load %arg5[%get3A_989, %get3A_990] {strides = array<i32>} : memref<200x512xi32, #tpu.memory_space<vmem>>, vector<16xi32>,
      %add3A_992 = arith.addi %add3A_972, %get3A_991 : vector<16xi32>
      %get3A_993 = arith.constant 138 : i32
      %get3A_994 = arith.index_cast %get3A_993 : i32 to index
      %get3A_995 = arith.index_cast %mul3A_294 : i32 to index
      %get3A_996 = tpu.vector_load %arg5[%get3A_994, %get3A_995] {strides = array<i32>} : memref<200x512xi32, #tpu.memory_space<vmem>>, vector<16xi32>,
      %add3A_997 = arith.addi %add3A_977, %get3A_996 : vector<16xi32>
      %get3A_998 = arith.constant 139 : i32
      %get3A_999 = arith.index_cast %get3A_998 : i32 to index
      %get3A_1000 = arith.index_cast %mul3A_294 : i32 to index
      %get3A_1001 = tpu.vector_load %arg5[%get3A_999, %get3A_1000] {strides = array<i32>} : memref<200x512xi32, #tpu.memory_space<vmem>>, vector<16xi32>,
      %add3A_1002 = arith.addi %add3A_982, %get3A_1001 : vector<16xi32>
      %get3A_1003 = arith.constant 140 : i32
      %get3A_1004 = arith.index_cast %get3A_1003 : i32 to index
      %get3A_1005 = arith.index_cast %mul3A_294 : i32 to index
      %get3A_1006 = tpu.vector_load %arg5[%get3A_1004, %get3A_1005] {strides = array<i32>} : memref<200x512xi32, #tpu.memory_space<vmem>>, vector<16xi32>,
      %add3A_1007 = arith.addi %add3A_987, %get3A_1006 : vector<16xi32>
      %get3A_1008 = arith.constant 141 : i32
      %get3A_1009 = arith.index_cast %get3A_1008 : i32 to index
      %get3A_1010 = arith.index_cast %mul3A_294 : i32 to index
      %get3A_1011 = tpu.vector_load %arg5[%get3A_1009, %get3A_1010] {strides = array<i32>} : memref<200x512xi32, #tpu.memory_space<vmem>>, vector<16xi32>,
      %add3A_1012 = arith.addi %add3A_992, %get3A_1011 : vector<16xi32>
      %get3A_1013 = arith.constant 142 : i32
      %get3A_1014 = arith.index_cast %get3A_1013 : i32 to index
      %get3A_1015 = arith.index_cast %mul3A_294 : i32 to index
      %get3A_1016 = tpu.vector_load %arg5[%get3A_1014, %get3A_1015] {strides = array<i32>} : memref<200x512xi32, #tpu.memory_space<vmem>>, vector<16xi32>,
      %add3A_1017 = arith.addi %add3A_997, %get3A_1016 : vector<16xi32>
      %get3A_1018 = arith.constant 143 : i32
      %get3A_1019 = arith.index_cast %get3A_1018 : i32 to index
      %get3A_1020 = arith.index_cast %mul3A_294 : i32 to index
      %get3A_1021 = tpu.vector_load %arg5[%get3A_1019, %get3A_1020] {strides = array<i32>} : memref<200x512xi32, #tpu.memory_space<vmem>>, vector<16xi32>,
      %add3A_1022 = arith.addi %add3A_1002, %get3A_1021 : vector<16xi32>
      %get3A_1023 = arith.constant 144 : i32
      %get3A_1024 = arith.index_cast %get3A_1023 : i32 to index
      %get3A_1025 = arith.index_cast %mul3A_294 : i32 to index
      %get3A_1026 = tpu.vector_load %arg5[%get3A_1024, %get3A_1025] {strides = array<i32>} : memref<200x512xi32, #tpu.memory_space<vmem>>, vector<16xi32>,
      %add3A_1027 = arith.addi %add3A_1007, %get3A_1026 : vector<16xi32>
      %get3A_1028 = arith.constant 145 : i32
      %get3A_1029 = arith.index_cast %get3A_1028 : i32 to index
      %get3A_1030 = arith.index_cast %mul3A_294 : i32 to index
      %get3A_1031 = tpu.vector_load %arg5[%get3A_1029, %get3A_1030] {strides = array<i32>} : memref<200x512xi32, #tpu.memory_space<vmem>>, vector<16xi32>,
      %add3A_1032 = arith.addi %add3A_1012, %get3A_1031 : vector<16xi32>
      %get3A_1033 = arith.constant 146 : i32
      %get3A_1034 = arith.index_cast %get3A_1033 : i32 to index
      %get3A_1035 = arith.index_cast %mul3A_294 : i32 to index
      %get3A_1036 = tpu.vector_load %arg5[%get3A_1034, %get3A_1035] {strides = array<i32>} : memref<200x512xi32, #tpu.memory_space<vmem>>, vector<16xi32>,
      %add3A_1037 = arith.addi %add3A_1017, %get3A_1036 : vector<16xi32>
      %get3A_1038 = arith.constant 147 : i32
      %get3A_1039 = arith.index_cast %get3A_1038 : i32 to index
      %get3A_1040 = arith.index_cast %mul3A_294 : i32 to index
      %get3A_1041 = tpu.vector_load %arg5[%get3A_1039, %get3A_1040] {strides = array<i32>} : memref<200x512xi32, #tpu.memory_space<vmem>>, vector<16xi32>,
      %add3A_1042 = arith.addi %add3A_1022, %get3A_1041 : vector<16xi32>
      %get3A_1043 = arith.constant 148 : i32
      %get3A_1044 = arith.index_cast %get3A_1043 : i32 to index
      %get3A_1045 = arith.index_cast %mul3A_294 : i32 to index
      %get3A_1046 = tpu.vector_load %arg5[%get3A_1044, %get3A_1045] {strides = array<i32>} : memref<200x512xi32, #tpu.memory_space<vmem>>, vector<16xi32>,
      %add3A_1047 = arith.addi %add3A_1027, %get3A_1046 : vector<16xi32>
      %get3A_1048 = arith.constant 149 : i32
      %get3A_1049 = arith.index_cast %get3A_1048 : i32 to index
      %get3A_1050 = arith.index_cast %mul3A_294 : i32 to index
      %get3A_1051 = tpu.vector_load %arg5[%get3A_1049, %get3A_1050] {strides = array<i32>} : memref<200x512xi32, #tpu.memory_space<vmem>>, vector<16xi32>,
      %add3A_1052 = arith.addi %add3A_1032, %get3A_1051 : vector<16xi32>
      %get3A_1053 = arith.constant 150 : i32
      %get3A_1054 = arith.index_cast %get3A_1053 : i32 to index
      %get3A_1055 = arith.index_cast %mul3A_294 : i32 to index
      %get3A_1056 = tpu.vector_load %arg5[%get3A_1054, %get3A_1055] {strides = array<i32>} : memref<200x512xi32, #tpu.memory_space<vmem>>, vector<16xi32>,
      %add3A_1057 = arith.addi %add3A_1037, %get3A_1056 : vector<16xi32>
      %get3A_1058 = arith.constant 151 : i32
      %get3A_1059 = arith.index_cast %get3A_1058 : i32 to index
      %get3A_1060 = arith.index_cast %mul3A_294 : i32 to index
      %get3A_1061 = tpu.vector_load %arg5[%get3A_1059, %get3A_1060] {strides = array<i32>} : memref<200x512xi32, #tpu.memory_space<vmem>>, vector<16xi32>,
      %add3A_1062 = arith.addi %add3A_1042, %get3A_1061 : vector<16xi32>
      %get3A_1063 = arith.constant 152 : i32
      %get3A_1064 = arith.index_cast %get3A_1063 : i32 to index
      %get3A_1065 = arith.index_cast %mul3A_294 : i32 to index
      %get3A_1066 = tpu.vector_load %arg5[%get3A_1064, %get3A_1065] {strides = array<i32>} : memref<200x512xi32, #tpu.memory_space<vmem>>, vector<16xi32>,
      %add3A_1067 = arith.addi %add3A_1047, %get3A_1066 : vector<16xi32>
      %get3A_1068 = arith.constant 153 : i32
      %get3A_1069 = arith.index_cast %get3A_1068 : i32 to index
      %get3A_1070 = arith.index_cast %mul3A_294 : i32 to index
      %get3A_1071 = tpu.vector_load %arg5[%get3A_1069, %get3A_1070] {strides = array<i32>} : memref<200x512xi32, #tpu.memory_space<vmem>>, vector<16xi32>,
      %add3A_1072 = arith.addi %add3A_1052, %get3A_1071 : vector<16xi32>
      %get3A_1073 = arith.constant 154 : i32
      %get3A_1074 = arith.index_cast %get3A_1073 : i32 to index
      %get3A_1075 = arith.index_cast %mul3A_294 : i32 to index
      %get3A_1076 = tpu.vector_load %arg5[%get3A_1074, %get3A_1075] {strides = array<i32>} : memref<200x512xi32, #tpu.memory_space<vmem>>, vector<16xi32>,
      %add3A_1077 = arith.addi %add3A_1057, %get3A_1076 : vector<16xi32>
      %get3A_1078 = arith.constant 155 : i32
      %get3A_1079 = arith.index_cast %get3A_1078 : i32 to index
      %get3A_1080 = arith.index_cast %mul3A_294 : i32 to index
      %get3A_1081 = tpu.vector_load %arg5[%get3A_1079, %get3A_1080] {strides = array<i32>} : memref<200x512xi32, #tpu.memory_space<vmem>>, vector<16xi32>,
      %add3A_1082 = arith.addi %add3A_1062, %get3A_1081 : vector<16xi32>
      %get3A_1083 = arith.constant 156 : i32
      %get3A_1084 = arith.index_cast %get3A_1083 : i32 to index
      %get3A_1085 = arith.index_cast %mul3A_294 : i32 to index
      %get3A_1086 = tpu.vector_load %arg5[%get3A_1084, %get3A_1085] {strides = array<i32>} : memref<200x512xi32, #tpu.memory_space<vmem>>, vector<16xi32>,
      %add3A_1087 = arith.addi %add3A_1067, %get3A_1086 : vector<16xi32>
      %get3A_1088 = arith.constant 157 : i32
      %get3A_1089 = arith.index_cast %get3A_1088 : i32 to index
      %get3A_1090 = arith.index_cast %mul3A_294 : i32 to index
      %get3A_1091 = tpu.vector_load %arg5[%get3A_1089, %get3A_1090] {strides = array<i32>} : memref<200x512xi32, #tpu.memory_space<vmem>>, vector<16xi32>,
      %add3A_1092 = arith.addi %add3A_1072, %get3A_1091 : vector<16xi32>
      %get3A_1093 = arith.constant 158 : i32
      %get3A_1094 = arith.index_cast %get3A_1093 : i32 to index
      %get3A_1095 = arith.index_cast %mul3A_294 : i32 to index
      %get3A_1096 = tpu.vector_load %arg5[%get3A_1094, %get3A_1095] {strides = array<i32>} : memref<200x512xi32, #tpu.memory_space<vmem>>, vector<16xi32>,
      %add3A_1097 = arith.addi %add3A_1077, %get3A_1096 : vector<16xi32>
      %get3A_1098 = arith.constant 159 : i32
      %get3A_1099 = arith.index_cast %get3A_1098 : i32 to index
      %get3A_1100 = arith.index_cast %mul3A_294 : i32 to index
      %get3A_1101 = tpu.vector_load %arg5[%get3A_1099, %get3A_1100] {strides = array<i32>} : memref<200x512xi32, #tpu.memory_space<vmem>>, vector<16xi32>,
      %add3A_1102 = arith.addi %add3A_1082, %get3A_1101 : vector<16xi32>
      %get3A_1103 = arith.constant 160 : i32
      %get3A_1104 = arith.index_cast %get3A_1103 : i32 to index
      %get3A_1105 = arith.index_cast %mul3A_294 : i32 to index
      %get3A_1106 = tpu.vector_load %arg5[%get3A_1104, %get3A_1105] {strides = array<i32>} : memref<200x512xi32, #tpu.memory_space<vmem>>, vector<16xi32>,
      %add3A_1107 = arith.addi %add3A_1087, %get3A_1106 : vector<16xi32>
      %get3A_1108 = arith.constant 161 : i32
      %get3A_1109 = arith.index_cast %get3A_1108 : i32 to index
      %get3A_1110 = arith.index_cast %mul3A_294 : i32 to index
      %get3A_1111 = tpu.vector_load %arg5[%get3A_1109, %get3A_1110] {strides = array<i32>} : memref<200x512xi32, #tpu.memory_space<vmem>>, vector<16xi32>,
      %add3A_1112 = arith.addi %add3A_1092, %get3A_1111 : vector<16xi32>
      %get3A_1113 = arith.constant 162 : i32
      %get3A_1114 = arith.index_cast %get3A_1113 : i32 to index
      %get3A_1115 = arith.index_cast %mul3A_294 : i32 to index
      %get3A_1116 = tpu.vector_load %arg5[%get3A_1114, %get3A_1115] {strides = array<i32>} : memref<200x512xi32, #tpu.memory_space<vmem>>, vector<16xi32>,
      %add3A_1117 = arith.addi %add3A_1097, %get3A_1116 : vector<16xi32>
      %get3A_1118 = arith.constant 163 : i32
      %get3A_1119 = arith.index_cast %get3A_1118 : i32 to index
      %get3A_1120 = arith.index_cast %mul3A_294 : i32 to index
      %get3A_1121 = tpu.vector_load %arg5[%get3A_1119, %get3A_1120] {strides = array<i32>} : memref<200x512xi32, #tpu.memory_space<vmem>>, vector<16xi32>,
      %add3A_1122 = arith.addi %add3A_1102, %get3A_1121 : vector<16xi32>
      %get3A_1123 = arith.constant 164 : i32
      %get3A_1124 = arith.index_cast %get3A_1123 : i32 to index
      %get3A_1125 = arith.index_cast %mul3A_294 : i32 to index
      %get3A_1126 = tpu.vector_load %arg5[%get3A_1124, %get3A_1125] {strides = array<i32>} : memref<200x512xi32, #tpu.memory_space<vmem>>, vector<16xi32>,
      %add3A_1127 = arith.addi %add3A_1107, %get3A_1126 : vector<16xi32>
      %get3A_1128 = arith.constant 165 : i32
      %get3A_1129 = arith.index_cast %get3A_1128 : i32 to index
      %get3A_1130 = arith.index_cast %mul3A_294 : i32 to index
      %get3A_1131 = tpu.vector_load %arg5[%get3A_1129, %get3A_1130] {strides = array<i32>} : memref<200x512xi32, #tpu.memory_space<vmem>>, vector<16xi32>,
      %add3A_1132 = arith.addi %add3A_1112, %get3A_1131 : vector<16xi32>
      %get3A_1133 = arith.constant 166 : i32
      %get3A_1134 = arith.index_cast %get3A_1133 : i32 to index
      %get3A_1135 = arith.index_cast %mul3A_294 : i32 to index
      %get3A_1136 = tpu.vector_load %arg5[%get3A_1134, %get3A_1135] {strides = array<i32>} : memref<200x512xi32, #tpu.memory_space<vmem>>, vector<16xi32>,
      %add3A_1137 = arith.addi %add3A_1117, %get3A_1136 : vector<16xi32>
      %get3A_1138 = arith.constant 167 : i32
      %get3A_1139 = arith.index_cast %get3A_1138 : i32 to index
      %get3A_1140 = arith.index_cast %mul3A_294 : i32 to index
      %get3A_1141 = tpu.vector_load %arg5[%get3A_1139, %get3A_1140] {strides = array<i32>} : memref<200x512xi32, #tpu.memory_space<vmem>>, vector<16xi32>,
      %add3A_1142 = arith.addi %add3A_1122, %get3A_1141 : vector<16xi32>
      %get3A_1143 = arith.constant 168 : i32
      %get3A_1144 = arith.index_cast %get3A_1143 : i32 to index
      %get3A_1145 = arith.index_cast %mul3A_294 : i32 to index
      %get3A_1146 = tpu.vector_load %arg5[%get3A_1144, %get3A_1145] {strides = array<i32>} : memref<200x512xi32, #tpu.memory_space<vmem>>, vector<16xi32>,
      %add3A_1147 = arith.addi %add3A_1127, %get3A_1146 : vector<16xi32>
      %get3A_1148 = arith.constant 169 : i32
      %get3A_1149 = arith.index_cast %get3A_1148 : i32 to index
      %get3A_1150 = arith.index_cast %mul3A_294 : i32 to index
      %get3A_1151 = tpu.vector_load %arg5[%get3A_1149, %get3A_1150] {strides = array<i32>} : memref<200x512xi32, #tpu.memory_space<vmem>>, vector<16xi32>,
      %add3A_1152 = arith.addi %add3A_1132, %get3A_1151 : vector<16xi32>
      %get3A_1153 = arith.constant 170 : i32
      %get3A_1154 = arith.index_cast %get3A_1153 : i32 to index
      %get3A_1155 = arith.index_cast %mul3A_294 : i32 to index
      %get3A_1156 = tpu.vector_load %arg5[%get3A_1154, %get3A_1155] {strides = array<i32>} : memref<200x512xi32, #tpu.memory_space<vmem>>, vector<16xi32>,
      %add3A_1157 = arith.addi %add3A_1137, %get3A_1156 : vector<16xi32>
      %get3A_1158 = arith.constant 171 : i32
      %get3A_1159 = arith.index_cast %get3A_1158 : i32 to index
      %get3A_1160 = arith.index_cast %mul3A_294 : i32 to index
      %get3A_1161 = tpu.vector_load %arg5[%get3A_1159, %get3A_1160] {strides = array<i32>} : memref<200x512xi32, #tpu.memory_space<vmem>>, vector<16xi32>,
      %add3A_1162 = arith.addi %add3A_1142, %get3A_1161 : vector<16xi32>
      %get3A_1163 = arith.constant 172 : i32
      %get3A_1164 = arith.index_cast %get3A_1163 : i32 to index
      %get3A_1165 = arith.index_cast %mul3A_294 : i32 to index
      %get3A_1166 = tpu.vector_load %arg5[%get3A_1164, %get3A_1165] {strides = array<i32>} : memref<200x512xi32, #tpu.memory_space<vmem>>, vector<16xi32>,
      %add3A_1167 = arith.addi %add3A_1147, %get3A_1166 : vector<16xi32>
      %get3A_1168 = arith.constant 173 : i32
      %get3A_1169 = arith.index_cast %get3A_1168 : i32 to index
      %get3A_1170 = arith.index_cast %mul3A_294 : i32 to index
      %get3A_1171 = tpu.vector_load %arg5[%get3A_1169, %get3A_1170] {strides = array<i32>} : memref<200x512xi32, #tpu.memory_space<vmem>>, vector<16xi32>,
      %add3A_1172 = arith.addi %add3A_1152, %get3A_1171 : vector<16xi32>
      %get3A_1173 = arith.constant 174 : i32
      %get3A_1174 = arith.index_cast %get3A_1173 : i32 to index
      %get3A_1175 = arith.index_cast %mul3A_294 : i32 to index
      %get3A_1176 = tpu.vector_load %arg5[%get3A_1174, %get3A_1175] {strides = array<i32>} : memref<200x512xi32, #tpu.memory_space<vmem>>, vector<16xi32>,
      %add3A_1177 = arith.addi %add3A_1157, %get3A_1176 : vector<16xi32>
      %get3A_1178 = arith.constant 175 : i32
      %get3A_1179 = arith.index_cast %get3A_1178 : i32 to index
      %get3A_1180 = arith.index_cast %mul3A_294 : i32 to index
      %get3A_1181 = tpu.vector_load %arg5[%get3A_1179, %get3A_1180] {strides = array<i32>} : memref<200x512xi32, #tpu.memory_space<vmem>>, vector<16xi32>,
      %add3A_1182 = arith.addi %add3A_1162, %get3A_1181 : vector<16xi32>
      %get3A_1183 = arith.constant 176 : i32
      %get3A_1184 = arith.index_cast %get3A_1183 : i32 to index
      %get3A_1185 = arith.index_cast %mul3A_294 : i32 to index
      %get3A_1186 = tpu.vector_load %arg5[%get3A_1184, %get3A_1185] {strides = array<i32>} : memref<200x512xi32, #tpu.memory_space<vmem>>, vector<16xi32>,
      %add3A_1187 = arith.addi %add3A_1167, %get3A_1186 : vector<16xi32>
      %get3A_1188 = arith.constant 177 : i32
      %get3A_1189 = arith.index_cast %get3A_1188 : i32 to index
      %get3A_1190 = arith.index_cast %mul3A_294 : i32 to index
      %get3A_1191 = tpu.vector_load %arg5[%get3A_1189, %get3A_1190] {strides = array<i32>} : memref<200x512xi32, #tpu.memory_space<vmem>>, vector<16xi32>,
      %add3A_1192 = arith.addi %add3A_1172, %get3A_1191 : vector<16xi32>
      %get3A_1193 = arith.constant 178 : i32
      %get3A_1194 = arith.index_cast %get3A_1193 : i32 to index
      %get3A_1195 = arith.index_cast %mul3A_294 : i32 to index
      %get3A_1196 = tpu.vector_load %arg5[%get3A_1194, %get3A_1195] {strides = array<i32>} : memref<200x512xi32, #tpu.memory_space<vmem>>, vector<16xi32>,
      %add3A_1197 = arith.addi %add3A_1177, %get3A_1196 : vector<16xi32>
      %get3A_1198 = arith.constant 179 : i32
      %get3A_1199 = arith.index_cast %get3A_1198 : i32 to index
      %get3A_1200 = arith.index_cast %mul3A_294 : i32 to index
      %get3A_1201 = tpu.vector_load %arg5[%get3A_1199, %get3A_1200] {strides = array<i32>} : memref<200x512xi32, #tpu.memory_space<vmem>>, vector<16xi32>,
      %add3A_1202 = arith.addi %add3A_1182, %get3A_1201 : vector<16xi32>
      %get3A_1203 = arith.constant 180 : i32
      %get3A_1204 = arith.index_cast %get3A_1203 : i32 to index
      %get3A_1205 = arith.index_cast %mul3A_294 : i32 to index
      %get3A_1206 = tpu.vector_load %arg5[%get3A_1204, %get3A_1205] {strides = array<i32>} : memref<200x512xi32, #tpu.memory_space<vmem>>, vector<16xi32>,
      %add3A_1207 = arith.addi %add3A_1187, %get3A_1206 : vector<16xi32>
      %get3A_1208 = arith.constant 181 : i32
      %get3A_1209 = arith.index_cast %get3A_1208 : i32 to index
      %get3A_1210 = arith.index_cast %mul3A_294 : i32 to index
      %get3A_1211 = tpu.vector_load %arg5[%get3A_1209, %get3A_1210] {strides = array<i32>} : memref<200x512xi32, #tpu.memory_space<vmem>>, vector<16xi32>,
      %add3A_1212 = arith.addi %add3A_1192, %get3A_1211 : vector<16xi32>
      %get3A_1213 = arith.constant 182 : i32
      %get3A_1214 = arith.index_cast %get3A_1213 : i32 to index
      %get3A_1215 = arith.index_cast %mul3A_294 : i32 to index
      %get3A_1216 = tpu.vector_load %arg5[%get3A_1214, %get3A_1215] {strides = array<i32>} : memref<200x512xi32, #tpu.memory_space<vmem>>, vector<16xi32>,
      %add3A_1217 = arith.addi %add3A_1197, %get3A_1216 : vector<16xi32>
      %get3A_1218 = arith.constant 183 : i32
      %get3A_1219 = arith.index_cast %get3A_1218 : i32 to index
      %get3A_1220 = arith.index_cast %mul3A_294 : i32 to index
      %get3A_1221 = tpu.vector_load %arg5[%get3A_1219, %get3A_1220] {strides = array<i32>} : memref<200x512xi32, #tpu.memory_space<vmem>>, vector<16xi32>,
      %add3A_1222 = arith.addi %add3A_1202, %get3A_1221 : vector<16xi32>
      %get3A_1223 = arith.constant 184 : i32
      %get3A_1224 = arith.index_cast %get3A_1223 : i32 to index
      %get3A_1225 = arith.index_cast %mul3A_294 : i32 to index
      %get3A_1226 = tpu.vector_load %arg5[%get3A_1224, %get3A_1225] {strides = array<i32>} : memref<200x512xi32, #tpu.memory_space<vmem>>, vector<16xi32>,
      %add3A_1227 = arith.addi %add3A_1207, %get3A_1226 : vector<16xi32>
      %get3A_1228 = arith.constant 185 : i32
      %get3A_1229 = arith.index_cast %get3A_1228 : i32 to index
      %get3A_1230 = arith.index_cast %mul3A_294 : i32 to index
      %get3A_1231 = tpu.vector_load %arg5[%get3A_1229, %get3A_1230] {strides = array<i32>} : memref<200x512xi32, #tpu.memory_space<vmem>>, vector<16xi32>,
      %add3A_1232 = arith.addi %add3A_1212, %get3A_1231 : vector<16xi32>
      %get3A_1233 = arith.constant 186 : i32
      %get3A_1234 = arith.index_cast %get3A_1233 : i32 to index
      %get3A_1235 = arith.index_cast %mul3A_294 : i32 to index
      %get3A_1236 = tpu.vector_load %arg5[%get3A_1234, %get3A_1235] {strides = array<i32>} : memref<200x512xi32, #tpu.memory_space<vmem>>, vector<16xi32>,
      %add3A_1237 = arith.addi %add3A_1217, %get3A_1236 : vector<16xi32>
      %get3A_1238 = arith.constant 187 : i32
      %get3A_1239 = arith.index_cast %get3A_1238 : i32 to index
      %get3A_1240 = arith.index_cast %mul3A_294 : i32 to index
      %get3A_1241 = tpu.vector_load %arg5[%get3A_1239, %get3A_1240] {strides = array<i32>} : memref<200x512xi32, #tpu.memory_space<vmem>>, vector<16xi32>,
      %add3A_1242 = arith.addi %add3A_1222, %get3A_1241 : vector<16xi32>
      %get3A_1243 = arith.constant 188 : i32
      %get3A_1244 = arith.index_cast %get3A_1243 : i32 to index
      %get3A_1245 = arith.index_cast %mul3A_294 : i32 to index
      %get3A_1246 = tpu.vector_load %arg5[%get3A_1244, %get3A_1245] {strides = array<i32>} : memref<200x512xi32, #tpu.memory_space<vmem>>, vector<16xi32>,
      %add3A_1247 = arith.addi %add3A_1227, %get3A_1246 : vector<16xi32>
      %get3A_1248 = arith.constant 189 : i32
      %get3A_1249 = arith.index_cast %get3A_1248 : i32 to index
      %get3A_1250 = arith.index_cast %mul3A_294 : i32 to index
      %get3A_1251 = tpu.vector_load %arg5[%get3A_1249, %get3A_1250] {strides = array<i32>} : memref<200x512xi32, #tpu.memory_space<vmem>>, vector<16xi32>,
      %add3A_1252 = arith.addi %add3A_1232, %get3A_1251 : vector<16xi32>
      %get3A_1253 = arith.constant 190 : i32
      %get3A_1254 = arith.index_cast %get3A_1253 : i32 to index
      %get3A_1255 = arith.index_cast %mul3A_294 : i32 to index
      %get3A_1256 = tpu.vector_load %arg5[%get3A_1254, %get3A_1255] {strides = array<i32>} : memref<200x512xi32, #tpu.memory_space<vmem>>, vector<16xi32>,
      %add3A_1257 = arith.addi %add3A_1237, %get3A_1256 : vector<16xi32>
      %get3A_1258 = arith.constant 191 : i32
      %get3A_1259 = arith.index_cast %get3A_1258 : i32 to index
      %get3A_1260 = arith.index_cast %mul3A_294 : i32 to index
      %get3A_1261 = tpu.vector_load %arg5[%get3A_1259, %get3A_1260] {strides = array<i32>} : memref<200x512xi32, #tpu.memory_space<vmem>>, vector<16xi32>,
      %add3A_1262 = arith.addi %add3A_1242, %get3A_1261 : vector<16xi32>
      %get3A_1263 = arith.constant 192 : i32
      %get3A_1264 = arith.index_cast %get3A_1263 : i32 to index
      %get3A_1265 = arith.index_cast %mul3A_294 : i32 to index
      %get3A_1266 = tpu.vector_load %arg5[%get3A_1264, %get3A_1265] {strides = array<i32>} : memref<200x512xi32, #tpu.memory_space<vmem>>, vector<16xi32>,
      %add3A_1267 = arith.addi %add3A_1247, %get3A_1266 : vector<16xi32>
      %get3A_1268 = arith.constant 193 : i32
      %get3A_1269 = arith.index_cast %get3A_1268 : i32 to index
      %get3A_1270 = arith.index_cast %mul3A_294 : i32 to index
      %get3A_1271 = tpu.vector_load %arg5[%get3A_1269, %get3A_1270] {strides = array<i32>} : memref<200x512xi32, #tpu.memory_space<vmem>>, vector<16xi32>,
      %add3A_1272 = arith.addi %add3A_1252, %get3A_1271 : vector<16xi32>
      %get3A_1273 = arith.constant 194 : i32
      %get3A_1274 = arith.index_cast %get3A_1273 : i32 to index
      %get3A_1275 = arith.index_cast %mul3A_294 : i32 to index
      %get3A_1276 = tpu.vector_load %arg5[%get3A_1274, %get3A_1275] {strides = array<i32>} : memref<200x512xi32, #tpu.memory_space<vmem>>, vector<16xi32>,
      %add3A_1277 = arith.addi %add3A_1257, %get3A_1276 : vector<16xi32>
      %get3A_1278 = arith.constant 195 : i32
      %get3A_1279 = arith.index_cast %get3A_1278 : i32 to index
      %get3A_1280 = arith.index_cast %mul3A_294 : i32 to index
      %get3A_1281 = tpu.vector_load %arg5[%get3A_1279, %get3A_1280] {strides = array<i32>} : memref<200x512xi32, #tpu.memory_space<vmem>>, vector<16xi32>,
      %add3A_1282 = arith.addi %add3A_1262, %get3A_1281 : vector<16xi32>
      %get3A_1283 = arith.constant 196 : i32
      %get3A_1284 = arith.index_cast %get3A_1283 : i32 to index
      %get3A_1285 = arith.index_cast %mul3A_294 : i32 to index
      %get3A_1286 = tpu.vector_load %arg5[%get3A_1284, %get3A_1285] {strides = array<i32>} : memref<200x512xi32, #tpu.memory_space<vmem>>, vector<16xi32>,
      %add3A_1287 = arith.addi %add3A_1267, %get3A_1286 : vector<16xi32>
      %get3A_1288 = arith.constant 197 : i32
      %get3A_1289 = arith.index_cast %get3A_1288 : i32 to index
      %get3A_1290 = arith.index_cast %mul3A_294 : i32 to index
      %get3A_1291 = tpu.vector_load %arg5[%get3A_1289, %get3A_1290] {strides = array<i32>} : memref<200x512xi32, #tpu.memory_space<vmem>>, vector<16xi32>,
      %add3A_1292 = arith.addi %add3A_1272, %get3A_1291 : vector<16xi32>
      %get3A_1293 = arith.constant 198 : i32
      %get3A_1294 = arith.index_cast %get3A_1293 : i32 to index
      %get3A_1295 = arith.index_cast %mul3A_294 : i32 to index
      %get3A_1296 = tpu.vector_load %arg5[%get3A_1294, %get3A_1295] {strides = array<i32>} : memref<200x512xi32, #tpu.memory_space<vmem>>, vector<16xi32>,
      %add3A_1297 = arith.addi %add3A_1277, %get3A_1296 : vector<16xi32>
      %get3A_1298 = arith.constant 199 : i32
      %get3A_1299 = arith.index_cast %get3A_1298 : i32 to index
      %get3A_1300 = arith.index_cast %mul3A_294 : i32 to index
      %get3A_1301 = tpu.vector_load %arg5[%get3A_1299, %get3A_1300] {strides = array<i32>} : memref<200x512xi32, #tpu.memory_space<vmem>>, vector<16xi32>,
      %add3A_1302 = arith.addi %add3A_1282, %get3A_1301 : vector<16xi32>
      %add3A_1303 = arith.addi %add3A_1287, %add3A_1292 : vector<16xi32>
      %add3A_1304 = arith.addi %add3A_1297, %add3A_1302 : vector<16xi32>
      %add3A_1305 = arith.addi %add3A_1303, %add3A_1304 : vector<16xi32>
      %convert_element_type3A = arith.sitofp %add3A_1305 : vector<16xi32> to vector<16xf32>
      %mul3A_1306 = arith.mulf %convert_element_type3A, %mul3A_31 : vector<16xf32>
      %add3A_1307 = arith.addf %gather3A_16, %mul3A_1306 : vector<16xf32>
      %swap3A = arith.constant 0 : i32
      %swap3A_1308 = arith.index_cast %swap3A : i32 to index
      %swap3A_1309 = arith.index_cast %mul3A_294 : i32 to index
      %swap3A_1310 = tpu.vector_load %arg6[%swap3A_1308, %swap3A_1309] {strides = array<i32>} : memref<10x512xf32, #tpu.memory_space<vmem>>, vector<16xf32>,
      tpu.vector_store %arg6[%swap3A_1308, %swap3A_1309], %add3A_1307 {strides = array<i32>} : memref<10x512xf32, #tpu.memory_space<vmem>>, vector<16xf32>,
      %mul3A_1311 = arith.mulf %convert_element_type3A, %mul3A_59 : vector<16xf32>
      %add3A_1312 = arith.addf %gather3A_43, %mul3A_1311 : vector<16xf32>
      %swap3A_1313 = arith.constant 1 : i32
      %swap3A_1314 = arith.index_cast %swap3A_1313 : i32 to index
      %swap3A_1315 = arith.index_cast %mul3A_294 : i32 to index
      %swap3A_1316 = tpu.vector_load %arg6[%swap3A_1314, %swap3A_1315] {strides = array<i32>} : memref<10x512xf32, #tpu.memory_space<vmem>>, vector<16xf32>,
      tpu.vector_store %arg6[%swap3A_1314, %swap3A_1315], %add3A_1312 {strides = array<i32>} : memref<10x512xf32, #tpu.memory_space<vmem>>, vector<16xf32>,
      %mul3A_1317 = arith.mulf %convert_element_type3A, %mul3A_87 : vector<16xf32>
      %add3A_1318 = arith.addf %gather3A_71, %mul3A_1317 : vector<16xf32>
      %swap3A_1319 = arith.constant 2 : i32
      %swap3A_1320 = arith.index_cast %swap3A_1319 : i32 to index
      %swap3A_1321 = arith.index_cast %mul3A_294 : i32 to index
      %swap3A_1322 = tpu.vector_load %arg6[%swap3A_1320, %swap3A_1321] {strides = array<i32>} : memref<10x512xf32, #tpu.memory_space<vmem>>, vector<16xf32>,
      tpu.vector_store %arg6[%swap3A_1320, %swap3A_1321], %add3A_1318 {strides = array<i32>} : memref<10x512xf32, #tpu.memory_space<vmem>>, vector<16xf32>,
      %mul3A_1323 = arith.mulf %convert_element_type3A, %mul3A_115 : vector<16xf32>
      %add3A_1324 = arith.addf %gather3A_99, %mul3A_1323 : vector<16xf32>
      %swap3A_1325 = arith.constant 3 : i32
      %swap3A_1326 = arith.index_cast %swap3A_1325 : i32 to index
      %swap3A_1327 = arith.index_cast %mul3A_294 : i32 to index
      %swap3A_1328 = tpu.vector_load %arg6[%swap3A_1326, %swap3A_1327] {strides = array<i32>} : memref<10x512xf32, #tpu.memory_space<vmem>>, vector<16xf32>,
      tpu.vector_store %arg6[%swap3A_1326, %swap3A_1327], %add3A_1324 {strides = array<i32>} : memref<10x512xf32, #tpu.memory_space<vmem>>, vector<16xf32>,
      %mul3A_1329 = arith.mulf %convert_element_type3A, %mul3A_143 : vector<16xf32>
      %add3A_1330 = arith.addf %gather3A_127, %mul3A_1329 : vector<16xf32>
      %swap3A_1331 = arith.constant 4 : i32
      %swap3A_1332 = arith.index_cast %swap3A_1331 : i32 to index
      %swap3A_1333 = arith.index_cast %mul3A_294 : i32 to index
      %swap3A_1334 = tpu.vector_load %arg6[%swap3A_1332, %swap3A_1333] {strides = array<i32>} : memref<10x512xf32, #tpu.memory_space<vmem>>, vector<16xf32>,
      tpu.vector_store %arg6[%swap3A_1332, %swap3A_1333], %add3A_1330 {strides = array<i32>} : memref<10x512xf32, #tpu.memory_space<vmem>>, vector<16xf32>,
      %mul3A_1335 = arith.mulf %convert_element_type3A, %mul3A_171 : vector<16xf32>
      %add3A_1336 = arith.addf %gather3A_155, %mul3A_1335 : vector<16xf32>
      %swap3A_1337 = arith.constant 5 : i32
      %swap3A_1338 = arith.index_cast %swap3A_1337 : i32 to index
      %swap3A_1339 = arith.index_cast %mul3A_294 : i32 to index
      %swap3A_1340 = tpu.vector_load %arg6[%swap3A_1338, %swap3A_1339] {strides = array<i32>} : memref<10x512xf32, #tpu.memory_space<vmem>>, vector<16xf32>,
      tpu.vector_store %arg6[%swap3A_1338, %swap3A_1339], %add3A_1336 {strides = array<i32>} : memref<10x512xf32, #tpu.memory_space<vmem>>, vector<16xf32>,
      %mul3A_1341 = arith.mulf %convert_element_type3A, %mul3A_199 : vector<16xf32>
      %add3A_1342 = arith.addf %gather3A_183, %mul3A_1341 : vector<16xf32>
      %swap3A_1343 = arith.constant 6 : i32
      %swap3A_1344 = arith.index_cast %swap3A_1343 : i32 to index
      %swap3A_1345 = arith.index_cast %mul3A_294 : i32 to index
      %swap3A_1346 = tpu.vector_load %arg6[%swap3A_1344, %swap3A_1345] {strides = array<i32>} : memref<10x512xf32, #tpu.memory_space<vmem>>, vector<16xf32>,
      tpu.vector_store %arg6[%swap3A_1344, %swap3A_1345], %add3A_1342 {strides = array<i32>} : memref<10x512xf32, #tpu.memory_space<vmem>>, vector<16xf32>,
      %mul3A_1347 = arith.mulf %convert_element_type3A, %mul3A_227 : vector<16xf32>
      %add3A_1348 = arith.addf %gather3A_211, %mul3A_1347 : vector<16xf32>
      %swap3A_1349 = arith.constant 7 : i32
      %swap3A_1350 = arith.index_cast %swap3A_1349 : i32 to index
      %swap3A_1351 = arith.index_cast %mul3A_294 : i32 to index
      %swap3A_1352 = tpu.vector_load %arg6[%swap3A_1350, %swap3A_1351] {strides = array<i32>} : memref<10x512xf32, #tpu.memory_space<vmem>>, vector<16xf32>,
      tpu.vector_store %arg6[%swap3A_1350, %swap3A_1351], %add3A_1348 {strides = array<i32>} : memref<10x512xf32, #tpu.memory_space<vmem>>, vector<16xf32>,
      %mul3A_1353 = arith.mulf %convert_element_type3A, %mul3A_255 : vector<16xf32>
      %add3A_1354 = arith.addf %gather3A_239, %mul3A_1353 : vector<16xf32>
      %swap3A_1355 = arith.constant 8 : i32
      %swap3A_1356 = arith.index_cast %swap3A_1355 : i32 to index
      %swap3A_1357 = arith.index_cast %mul3A_294 : i32 to index
      %swap3A_1358 = tpu.vector_load %arg6[%swap3A_1356, %swap3A_1357] {strides = array<i32>} : memref<10x512xf32, #tpu.memory_space<vmem>>, vector<16xf32>,
      tpu.vector_store %arg6[%swap3A_1356, %swap3A_1357], %add3A_1354 {strides = array<i32>} : memref<10x512xf32, #tpu.memory_space<vmem>>, vector<16xf32>,
      %mul3A_1359 = arith.mulf %convert_element_type3A, %mul3A_283 : vector<16xf32>
      %add3A_1360 = arith.addf %gather3A_267, %mul3A_1359 : vector<16xf32>
      %swap3A_1361 = arith.constant 9 : i32
      %swap3A_1362 = arith.index_cast %swap3A_1361 : i32 to index
      %swap3A_1363 = arith.index_cast %mul3A_294 : i32 to index
      %swap3A_1364 = tpu.vector_load %arg6[%swap3A_1362, %swap3A_1363] {strides = array<i32>} : memref<10x512xf32, #tpu.memory_space<vmem>>, vector<16xf32>,
      tpu.vector_store %arg6[%swap3A_1362, %swap3A_1363], %add3A_1360 {strides = array<i32>} : memref<10x512xf32, #tpu.memory_space<vmem>>, vector<16xf32>,
    }
    %scan3A_291 = arith.constant 32 : i32
    "tpu.region"() ({
      %run_scoped3A = tpu.sem_alloc : memref<!tpu.dma_semaphore, #tpu.memory_space<semaphore_mem>>
      %dma_start3A_292 = arith.constant 0 : i32
      %dma_start3A_293 = tpu.memref_slice %arg4[%dma_start3A_292, %mul3A_2] : memref<10x16384xf32, #tpu.memory_space<hbm>> -> memref<10x512xf32, #tpu.memory_space<hbm>>
      %dma_start3A_294 = arith.constant 0 : i32
      %dma_start3A_295 = tpu.memref_slice %arg4[%dma_start3A_294, %mul3A_2] : memref<10x16384xf32, #tpu.memory_space<hbm>> -> memref<10x512xf32, #tpu.memory_space<hbm>>
      tpu.enqueue_dma source(%arg6 : memref<10x512xf32, #tpu.memory_space<vmem>>) target(%dma_start3A_295 : memref<10x512xf32, #tpu.memory_space<hbm>>) target_semaphore(%run_scoped3A : memref<!tpu.dma_semaphore, #tpu.memory_space<semaphore_mem>>)
      %dma_wait3A_296 = arith.constant 0 : i32
      %dma_wait3A_297 = tpu.memref_slice %arg4[%dma_wait3A_296, %mul3A_2] : memref<10x16384xf32, #tpu.memory_space<hbm>> -> memref<10x512xf32, #tpu.memory_space<hbm>>
      %dma_wait3A_298 = arith.constant 0 : i32
      %dma_wait3A_299 = tpu.memref_slice %arg4[%dma_wait3A_298, %mul3A_2] : memref<10x16384xf32, #tpu.memory_space<hbm>> -> memref<10x512xf32, #tpu.memory_space<hbm>>
      tpu.wait_dma2 semaphore(%run_scoped3A : memref<!tpu.dma_semaphore, #tpu.memory_space<semaphore_mem>>) src(%arg6 : memref<10x512xf32, #tpu.memory_space<vmem>>) dst(%dma_wait3A_299 : memref<10x512xf32, #tpu.memory_space<hbm>>)
      tpu.yield
    }) : () -> ()
    return
  }
}

</mosaic_0001>

<sc_bundles>
// kernel: kernel.3.cloned.1.call-start
scs
__scs_entry_jumppad:
0x0: {  	(pc) =	sbr.rel $0x88, $3  }
0x1: {  	(tag) =	ssettag $0x0;
	lr =	simm.s32 $0x1  }
0x2: {  	[smem:$0x3F9F] =	sst lr;
	_ =	strace $0xD0000000  }
0x3: {  	_ = 	snop  }
0x4: {  	_ = 	snop  }
0x5: {  	_ = 	snop  }
0x6: {  	_ = 	snop  }
0x7: {  	_ = 	snop  }
__scs_overlays_trampoline_lowered:
0x8: {  	[smem:$0x3FAE] =	sst s0  }
0x9: {  	[smem:$0x3FAF] =	sst s1  }
0xa: {  	[smem:$0x3FB0] =	sst s2  }
0xb: {  	[smem:$0x3FB1] =	sst s3  }
0xc: {  	[smem:$0x3FB2] =	sst s4  }
0xd: {  	[smem:$0x3FB3] =	sst s5  }
0xe: {  	[smem:$0x3FB4] =	sst s6  }
0xf: {  	[smem:$0x3FB5] =	sst s7  }
0x10: {  	[smem:$0x3FB6] =	sst s8  }
0x11: {  	[smem:$0x3FB7] =	sst s9;
	s0 =	simm.s32 @!p0 $0x0  }
0x12: {  	s1 =	sld [smem:$0x3F9D];
	s0 =	simm.s32 @p0 $0x1  }
0x13: {  	[smem:$0x3FB8] =	sst s0;
	s0 =	simm.s32 @!p1 $0x0  }
0x14: {  	s2 =	sld [smem:$0x3F9C];
	s0 =	simm.s32 @p1 $0x1  }
0x15: {  	[smem:$0x3FB9] =	sst s0;
	s0 =	simm.s32 @!p2 $0x0  }
0x16: {  	s3 =	sld [smem:$0x3FDB];
	s0 =	simm.s32 @p2 $0x1  }
0x17: {  	s4 =	simm.s32 $0x1BF5;
	[smem:$0x3FBB] =	sst s0  }
0x18: {  	s0 =	sld [smem:$0x3F9E];
	_ =	swait.ge [sflag:s4], $0x0  }
0x19: {  	s7 =	sld [smem:$0x3F9F]  }
0x1a: {  	s8 =	sadd.s32 $0xFFFFE003, lr  }
0x1b: {  	s9 =	sadd.s32 $0xFFFFFEF7, lr;
	s5 =	simm.s32 $0xFFFFFFFF;
	p2 =	slt.u32 s8, $0xFFFFF086  }
0x1c: {  	p1 =	slt.u32 s9, $0xF7A;
	s5 =	simm.s32 @!p2 $0x0  }
0x1d: {  	s5 =	simm.s32 @p1 $0x1;
	p0 =	seq.s32 s7, s2  }
0x1e: {  	s7 =	smul.u32 @!p0 $0xF7A, s2;
	p2 =	seq.s32 @!p0 s5, $0x0  }
0x1f: {  	s9 =	smul.u32 $0xF7A, s1;
	s8 =	simm.s32 @!p0 $0x1BF5;
	p2 =	por !p2, p0  }
0x20: {  	[sflag:s8] =	ssyncset.s32 @!p0 $0xFFFFF086;
	s6 =	sadd.s32 @!p0 s3, s7;
	s7 =	simm.s32 @!p0 $0x108  }
0x21: {  	s3 =	sadd.s32 s3, s9;
	s6 =	sadd.s32 @!p0 $0x88, s6;
	s7 =	simm.s32 @p2 $0x1082  }
0x22: {  	[simem:s7], [sflag:s8] =	dma.local @!p0 [hbm:s6], $0xF7A  }
0x23: {  	s9 =	sor.u32 $0xD0000000, s2;
	s6 =	simm.s32 $0x108;
	_ =	swait.ge @!p0 [sflag:s8], $0x0  }
0x24: {  	s3 =	sadd.s32 $0x88, s3;
	s6 =	simm.s32 @!p1 $0x1082;
	[sflag:s4] =	ssyncset.s32 $0xFFFFF086  }
0x25: {  	[simem:s6], [sflag:s4] =	dma.local [hbm:s3], $0xF7A  }
0x26: {  	[smem:$0x3F9F] =	sst s1;
	(tag) =	ssettag s2;
	_ =	strace s9  }
0x27: {  	s1 =	sld [smem:$0x3FAF]  }
0x28: {  	s2 =	sld [smem:$0x3FB0]  }
0x29: {  	s4 =	sld [smem:$0x3FB2]  }
0x2a: {  	p0 =	seq.s32 s5, $0x0;
	s5 =	sld [smem:$0x3FB3]  }
0x2b: {  	s6 =	sld [smem:$0x3FB4]  }
0x2c: {  	s7 =	sld [smem:$0x3FB5]  }
0x2d: {  	s3 =	simm.s32 $0x108;
	s8 =	sld [smem:$0x3FB6]  }
0x2e: {  	s3 =	simm.s32 @!p0 $0x1082;
	s9 =	sld [smem:$0x3FB7]  }
0x2f: {  	lr =	sadd.s32 s0, s3;
	s0 =	sld [smem:$0x3FAE]  }
0x30: {  	s3 =	sld [smem:$0x3FB1]  }
0x31: {  	[smem:$0x3FBA] =	sst s10  }
0x32: {  	s10 =	sld [smem:$0x3FB8];
	_ =	sdelay $0x3  }
0x33: {  	p0 =	seq.s32 s10, $0x1;
	s10 =	sld [smem:$0x3FBA];
	_ =	sdelay $0x3  }
0x34: {  	[smem:$0x3FBA] =	sst s10  }
0x35: {  	s10 =	sld [smem:$0x3FB9];
	_ =	sdelay $0x3  }
0x36: {  	p1 =	seq.s32 s10, $0x1;
	s10 =	sld [smem:$0x3FBA];
	_ =	sdelay $0x3  }
0x37: {  	[smem:$0x3FBA] =	sst s10  }
0x38: {  	s10 =	sld [smem:$0x3FBB]  }
0x39: {  	_ = 	snop;
	(pc) =	sbr.ind lr, $3  }
0x3a: {  	_ = 	snop  }
0x3b: {  	_ = 	snop  }
0x3c: {  	p2 =	seq.s32 s10, $0x1;
	s10 =	sld [smem:$0x3FBA]  }
0x3d: {  	_ =	shalt  }
0x3e: {  	_ =	shalt  }
0x3f: {  	_ =	shalt  }
0x40: {  	_ =	shalt  }
0x41: {  	_ =	shalt  }
0x42: {  	_ =	shalt  }
0x43: {  	_ =	shalt  }
0x44: {  	_ =	shalt  }
0x45: {  	_ =	shalt  }
0x46: {  	_ =	shalt  }
0x47: {  	_ =	shalt  }
0x48: {  	_ =	shalt  }
0x49: {  	_ =	shalt  }
0x4a: {  	_ =	shalt  }
0x4b: {  	_ =	shalt  }
0x4c: {  	_ =	shalt  }
0x4d: {  	_ =	shalt  }
0x4e: {  	_ =	shalt  }
0x4f: {  	_ =	shalt  }
0x50: {  	_ =	shalt  }
0x51: {  	_ =	shalt  }
0x52: {  	_ =	shalt  }
0x53: {  	_ =	shalt  }
0x54: {  	_ =	shalt  }
0x55: {  	_ =	shalt  }
0x56: {  	_ =	shalt  }
0x57: {  	_ =	shalt  }
0x58: {  	_ =	shalt  }
0x59: {  	_ =	shalt  }
0x5a: {  	_ =	shalt  }
0x5b: {  	_ =	shalt  }
0x5c: {  	_ =	shalt  }
0x5d: {  	_ =	shalt  }
0x5e: {  	_ =	shalt  }
0x5f: {  	_ =	shalt  }
0x60: {  	_ =	shalt  }
0x61: {  	_ =	shalt  }
0x62: {  	_ =	shalt  }
0x63: {  	_ =	shalt  }
0x64: {  	_ =	shalt  }
0x65: {  	_ =	shalt  }
0x66: {  	_ =	shalt  }
0x67: {  	_ =	shalt  }
0x68: {  	_ =	shalt  }
0x69: {  	_ =	shalt  }
0x6a: {  	_ =	shalt  }
0x6b: {  	_ =	shalt  }
0x6c: {  	_ =	shalt  }
0x6d: {  	_ =	shalt  }
0x6e: {  	_ =	shalt  }
0x6f: {  	_ =	shalt  }
0x70: {  	_ =	shalt  }
0x71: {  	_ =	shalt  }
0x72: {  	_ =	shalt  }
0x73: {  	_ =	shalt  }
0x74: {  	_ =	shalt  }
0x75: {  	_ =	shalt  }
0x76: {  	_ =	shalt  }
0x77: {  	_ =	shalt  }
0x78: {  	_ =	shalt  }
0x79: {  	_ =	shalt  }
0x7a: {  	_ =	shalt  }
0x7b: {  	_ =	shalt  }
0x7c: {  	_ =	shalt  }
0x7d: {  	_ =	shalt  }
0x7e: {  	_ =	shalt  }
0x7f: {  	_ =	shalt  }
0x80: {  	_ =	shalt  }
0x81: {  	_ =	shalt  }
0x82: {  	_ =	shalt  }
0x83: {  	_ =	shalt  }
0x84: {  	_ =	shalt  }
0x85: {  	_ =	shalt  }
0x86: {  	_ =	shalt  }
0x87: {  	_ =	shalt  }
.Lfunc_end0:
.L_simem_size_0:
called_computation_lowered:
.L_overlay_start_0:
0x88: {  	s2 =	sld [smem:$0x3FD9]  }
0x89: {  	s3 =	sld [smem:$0x3FFE];
	_ =	sdelay $0x1  }
0x8a: {  	s1 =	srdreg.scid  }
0x8b: {  	s0 =	sand.u32 $0x1, s1  }
0x8c: {  	s17 =	sshll.u32 s0, $0xA;
	s2 =	sadd.s32 s3, s2  }
0x8d: {  	s2 =	sadd.s32 s2, s17  }
0x8e: {  	[smem:$0x3FC6] =	sst s2  }
0x8f: {  	_ = 	snop  }
0x90: {  	s2 =	sld [smem:$0x3FC9]  }
0x91: {  	s18 =	sld [smem:$0x3FD0];
	(tm) =	ssettm $0x1  }
0x92: {  	s4 =	sld [smem:$0x3FFB];
	_ =	sdelay $0x3  }
0x93: {  	_ =	strace s4  }
0x94: {  	s4 =	sld [smem:$0x3FFC];
	_ =	sdelay $0x3  }
0x95: {  	_ =	strace s4  }
0x96: {  	s4 =	sld [smem:$0x3FFD];
	_ =	sdelay $0x3  }
0x97: {  	_ =	strace s4  }
0x98: {  	_ =	strace $0x8FFFFFFF  }
0x99: {  	s19 =	sld [smem:$0x3FDB];
	_ =	sdelay $0x1  }
0x9a: {  	s5 =	simm.s32 $_scs_section_size  }
0x9b: {  	s6 =	simm.s32 $_size__tile_overlayer_lowered;
	s7 =	simm.s32 $_tile_overlayer_lowered  }
0x9c: {  	s22 =	simm.s32 $0x1BFF;
	s21 =	sshll.u32 s7, $0x1;
	s4 =	sadd.s32 s5, s19  }
0x9d: {  	s8 =	simm.s32 $0x0;
	s20 =	sshll.u32 s6, $0x1;
	s6 =	sadd.s32 s21, s4  }
0x9e: {  	[timem:s8], [sflag:s22] =	dma.local [hbm:s6], s20  }
0x9f: {  	_ =	swait.ge [sflag:s22], s20  }
0xa0: {  	s5 =	ssub.s32 $0x0, s20;
	[sflag:s22] =	ssyncset.done $0x0  }
0xa1: {  	[sflag:s22] =	ssyncadd.s32 s5;
	_ =	sdelay $0x1  }
0xa2: {  	s23 =	simm.s32 $0x1B8B  }
0xa3: {  	_ =	swait.ge [sflag:s23], $0x1  }
0xa4: {  	[sflag:s23] =	ssyncset.done $0x0  }
0xa5: {  	s25 =	simm.s32 $0x1B8E;
	s24 =	sld [smem:$0x3FFE];
	[sflag:s23] =	ssyncadd.s32 $0xFFFFFFFF  }
0xa6: {  	s26 =	simm.s32 $execute0_lowered;
	[smem:$0x3FD2] =	sst s25  }
0xa7: {  	s6 =	sshll.u32 s26, $0x1;
	_ =	strace $0x80000046;
	[dreg:$0x1] =	wrdreg $0xFFFFFFFF  }
0xa8: {  	s28 =	simm.s32 $_size_execute0_lowered;
	s4 =	sadd.s32 s4, s6;
	[dreg:$0x0] =	wrdreg $0x0  }
0xa9: {  	s6 =	sshll.u32 s28, $0x1;
	[dreg:$0x2] =	wrdreg s4  }
0xaa: {  	[dreg:$0x3] =	wrdreg s6  }
0xab: {  	[dreg:$0x4] =	wrdreg $0xC0  }
0xac: {  	_ =	task [dreg:s8], $0x5FFFF  }
0xad: {  	[dreg:$0x1] =	wrdreg $0xFFFFFFFF  }
0xae: {  	[dreg:$0x0] =	wrdreg $0x60  }
0xaf: {  	[dreg:$0x2] =	wrdreg s2  }
0xb0: {  	[dreg:$0x3] =	wrdreg s24  }
0xb1: {  	[dreg:$0x4] =	wrdreg s18  }
0xb2: {  	[dreg:$0x5] =	wrdreg $0x9  }
0xb3: {  	_ =	task.clear_ibuf [dreg:s8], $0x6FFFF;
	_ =	strace $0x90000046  }
0xb4: {  	s29 =	simm.s32 $0x9;
	_ =	strace $0x80000048  }
0xb5: {  	_ =	swait.ge [sflag:s29], $0x1  }
0xb6: {  	[sflag:s29] =	ssyncadd.s32 $0xFFFFFFFF  }
0xb7: {  	_ =	strace $0x90000048  }
0xb8: {  	_ =	sfence  }
0xb9: {  	s30 =	sld [smem:$0x0];
	_ =	sdelay $0x2  }
0xba: {  	s31 =	sshll.u32 s1, $0xD;
	s1 =	sshrl.u32 s1, $0x2  }
0xbb: {  	s3 =	sand.u32 $0x4000, s31;
	s1 =	sadd.s32 s1, s30  }
0xbc: {  	s0 =	sor.u32 s3, s0;
	s1 =	sshll.u32 s1, $0x11  }
0xbd: {  	s0 =	sor.u32 s1, s0  }
0xbe: {  	s0 =	sadd.s32 $0x8F2B, s0  }
0xbf: {  	[sflag:s0] =	ssyncadd.remote.s32 $0x1  }
0xc0: {  	_ =	sfence.sel $0xFFFF  }
0xc1: {  	[dreg:$0x0] =	wrdreg $0xFFFFFFFF;
	(pc) =	sbr.abs _section_cstart, $3  }
0xc2: {  	[dreg:$0x1] =	wrdreg $0xFFFFFFFF  }
0xc3: {  	_ =	task.clear_ibuf [dreg:s8], $0x2FFFF;
	_ =	strace $0x9FFFFFFF  }
0xc4: {  	(tm) =	ssettm $0x7FFFFFFF  }
0xc5: {  	_ =	shalt  }
tec
execute0_lowered:
.L_overlay_start_1:
0x0: {  	(tag) =	ssettag $0x1  }
0x1: {  	s4 =	rddreg [dreg:$0x0]  }
0x2: {  	s3 =	rddreg [dreg:$0x1]  }
0x3: {  	s5 =	rddreg [dreg:$0x2]  }
0x4: {  	s0 =	rddreg [dreg:$0x3];
	s2 =	simm.s32 $0x0;
	s6 =	srdreg.scid  }
0x5: {  	s1 =	stileid.u32;
	s10 =	simm.s32 $0x2;
	s11 =	simm.s32 $0x1  }
0x6: {  	v0 =	vimm.s32 $0x0;
	s12 =	simm.s32 $0x19000;
	s13 =	simm.s32 $0x0;
	[smem:$0x7FF] =	sst s2  }
0x7: {  	v1 =	vimm.s32 $0x6;
	v2 =	vimm.s32 $0x1;
	v3 =	vimm.s32 $0x7;
	s6 =	sand.u32 $0x1, s6;
	s8 =	sshll.u32 s1, $0xA;
	s3 =	sadd.s32 $0x400, s3  }
0x8: {  	v4 =	vimm.s32 $0x2;
	v5 =	vimm.s32 $0x8;
	v6 =	vimm.s32 $0x3;
	s7 =	ssub.s32 $0x2, s6;
	s6 =	sshll.u32 s6, $0x9;
	_ =	strace $0x80000047  }
0x9: {  	v7 =	vimm.s32 $0x9;
	v8 =	vimm.s32 $0x4;
	v9 =	vimm.s32 $0xA;
	s9 =	sshrl.u32 s7, $0x1;
	s6 =	sor.u32 s6, s8;
	s8 =	simm.s32 $0x20000  }
0xa: {  	v10 =	vimm.s32 $0x5;
	v11 =	vimm.s32 $0xB;
	v12 =	vimm.s32 $0xC;
	s7 =	ssub.s32 s7, s9;
	s4 =	sadd.s32 s4, s6;
	s5 =	sadd.s32 s5, s6  }
0xb: {  	v13 =	vimm.s32 $0xD;
	v14 =	vimm.s32 $0xE;
	v15 =	vimm.s32 $0xF;
	s9 =	simm.s32 $0x1B000;
	s6 =	smax.u32 s7, $0x1;
	s7 =	simm.s32 $0x1000  }
.LBB2_1:
0xc: {  	[tilespmem:s2], [sflag:$0x1] =	stream.strided.gather [hbm4b:s4+s7], $0x19000, s8, s7, $0x38;
	[tilespmem:$0x1B080] =	vst v63  }
0xd: {  	_ = 	snop  }
0xe: {  	[tilespmem:s9], [sflag:$0x2] =	stream.linear.gather [hbm4b:s3+s2], $0x80, $0x38;
	[tilespmem:$0x1B080] =	vst v63  }
0xf: {  	_ =	swait.ge [sflag:s10], $0x80  }
0x10: {  	[sflag:s10] =	ssyncset.done $0x0  }
0x11: {  	[sflag:s10] =	ssyncadd.s32 $0xFFFFFF80  }
0x12: {  	v32 =	vld [tilespmem:$0x1B000]  }
0x13: {  	v33 =	vld [tilespmem:$0x1B004];
	_ =	swait.ge [sflag:s11], $0x19000  }
0x14: {  	s14 =	sand.u32 $0x70, s2;
	s15 =	sand.u32 $0xC00, s2;
	[sflag:s11] =	ssyncset.done $0x0  }
0x15: {  	s14 =	sor.u32 s14, s15;
	[sflag:s11] =	ssyncadd.s32 $0xFFFE7000  }
0x16: {  	v16 =	vld [tilespmem:s14+$0x0]  }
0x17: {  	s15 =	sor.u32 s15, s2;
	v17 =	vld [tilespmem:s14+$0x80]  }
0x18: {  	s16 =	sor.u32 $0x180, s15;
	v18 =	vld [tilespmem:s14+$0x100]  }
0x19: {  	v19 =	vld [tilespmem:s16+$0x0]  }
0x1a: {  	v20 =	vld [tilespmem:s14+$0x200]  }
0x1b: {  	s31 =	sor.u32 s2, s2;
	v21 =	vld [tilespmem:s14+$0x280]  }
0x1c: {  	s15 =	sor.u32 $0x380, s31;
	v22 =	vld [tilespmem:s14+$0x300];
	v16 =	vadd.s32 v16, v17  }
0x1d: {  	v17 =	vld [tilespmem:s15+$0x0];
	v16 =	vadd.s32 v18, v16  }
0x1e: {  	v18 =	vld [tilespmem:s14+$0x1000];
	v16 =	vadd.s32 v19, v16  }
0x1f: {  	v19 =	vld [tilespmem:s14+$0x1080];
	v16 =	vadd.s32 v20, v16  }
0x20: {  	v20 =	vld [tilespmem:s14+$0x1100];
	v16 =	vadd.s32 v21, v16  }
0x21: {  	v21 =	vld [tilespmem:s14+$0x1180];
	v16 =	vadd.s32 v22, v16  }
0x22: {  	v22 =	vld [tilespmem:s14+$0x1200];
	v16 =	vadd.s32 v17, v16  }
0x23: {  	v17 =	vld [tilespmem:s14+$0x1280];
	v16 =	vadd.s32 v18, v16  }
0x24: {  	v18 =	vld [tilespmem:s14+$0x1300];
	v16 =	vadd.s32 v19, v16  }
0x25: {  	v19 =	vld [tilespmem:s14+$0x1380];
	v16 =	vadd.s32 v20, v16  }
0x26: {  	v20 =	vld [tilespmem:s14+$0x2000];
	v16 =	vadd.s32 v21, v16  }
0x27: {  	v21 =	vld [tilespmem:s14+$0x2080];
	v16 =	vadd.s32 v22, v16  }
0x28: {  	v22 =	vld [tilespmem:s14+$0x2100];
	v16 =	vadd.s32 v17, v16  }
0x29: {  	v17 =	vld [tilespmem:s14+$0x2180];
	v16 =	vadd.s32 v18, v16  }
0x2a: {  	v18 =	vld [tilespmem:s14+$0x2200];
	v16 =	vadd.s32 v19, v16  }
0x2b: {  	v19 =	vld [tilespmem:s14+$0x2280];
	v16 =	vadd.s32 v20, v16  }
0x2c: {  	v20 =	vld [tilespmem:s14+$0x2300];
	v16 =	vadd.s32 v21, v16  }
0x2d: {  	v21 =	vld [tilespmem:s14+$0x2380];
	v16 =	vadd.s32 v22, v16  }
0x2e: {  	v22 =	vld [tilespmem:s14+$0x3000];
	v16 =	vadd.s32 v17, v16  }
0x2f: {  	v17 =	vld [tilespmem:s14+$0x3080];
	v16 =	vadd.s32 v18, v16  }
0x30: {  	v18 =	vld [tilespmem:s14+$0x3100];
	v16 =	vadd.s32 v19, v16  }
0x31: {  	v19 =	vld [tilespmem:s14+$0x3180];
	v16 =	vadd.s32 v20, v16  }
0x32: {  	v20 =	vld [tilespmem:s14+$0x3200];
	v16 =	vadd.s32 v21, v16  }
0x33: {  	v21 =	vld [tilespmem:s14+$0x3280];
	v16 =	vadd.s32 v22, v16  }
0x34: {  	v22 =	vld [tilespmem:s14+$0x3300];
	v16 =	vadd.s32 v17, v16  }
0x35: {  	v17 =	vld [tilespmem:s14+$0x3380];
	v16 =	vadd.s32 v18, v16  }
0x36: {  	v18 =	vld [tilespmem:s14+$0x4000];
	v16 =	vadd.s32 v19, v16  }
0x37: {  	v19 =	vld [tilespmem:s14+$0x4080];
	v16 =	vadd.s32 v20, v16  }
0x38: {  	v20 =	vld [tilespmem:s14+$0x4100];
	v16 =	vadd.s32 v21, v16  }
0x39: {  	v21 =	vld [tilespmem:s14+$0x4180];
	v16 =	vadd.s32 v22, v16  }
0x3a: {  	v22 =	vld [tilespmem:s14+$0x4200];
	v16 =	vadd.s32 v17, v16  }
0x3b: {  	v17 =	vld [tilespmem:s14+$0x4280];
	v16 =	vadd.s32 v18, v16  }
0x3c: {  	v18 =	vld [tilespmem:s14+$0x4300];
	v16 =	vadd.s32 v19, v16  }
0x3d: {  	v19 =	vld [tilespmem:s14+$0x4380];
	v16 =	vadd.s32 v20, v16  }
0x3e: {  	v20 =	vld [tilespmem:s14+$0x5000];
	v16 =	vadd.s32 v21, v16  }
0x3f: {  	v21 =	vld [tilespmem:s14+$0x5080];
	v16 =	vadd.s32 v22, v16  }
0x40: {  	v22 =	vld [tilespmem:s14+$0x5100];
	v16 =	vadd.s32 v17, v16  }
0x41: {  	v17 =	vld [tilespmem:s14+$0x5180];
	v16 =	vadd.s32 v18, v16  }
0x42: {  	v18 =	vld [tilespmem:s14+$0x5200];
	v16 =	vadd.s32 v19, v16  }
0x43: {  	v19 =	vld [tilespmem:s14+$0x5280];
	v16 =	vadd.s32 v20, v16  }
0x44: {  	v20 =	vld [tilespmem:s14+$0x5300];
	v16 =	vadd.s32 v21, v16  }
0x45: {  	v21 =	vld [tilespmem:s14+$0x5380];
	v16 =	vadd.s32 v22, v16  }
0x46: {  	v22 =	vld [tilespmem:s14+$0x6000];
	v16 =	vadd.s32 v17, v16  }
0x47: {  	v17 =	vld [tilespmem:s14+$0x6080];
	v16 =	vadd.s32 v18, v16  }
0x48: {  	v18 =	vld [tilespmem:s14+$0x6100];
	v16 =	vadd.s32 v19, v16  }
0x49: {  	v19 =	vld [tilespmem:s14+$0x6180];
	v16 =	vadd.s32 v20, v16  }
0x4a: {  	v20 =	vld [tilespmem:s14+$0x6200];
	v16 =	vadd.s32 v21, v16  }
0x4b: {  	v21 =	vld [tilespmem:s14+$0x6280];
	v16 =	vadd.s32 v22, v16  }
0x4c: {  	v22 =	vld [tilespmem:s14+$0x6300];
	v16 =	vadd.s32 v17, v16  }
0x4d: {  	v17 =	vld [tilespmem:s14+$0x6380];
	v16 =	vadd.s32 v18, v16  }
0x4e: {  	v18 =	vld [tilespmem:s14+$0x7000];
	v16 =	vadd.s32 v19, v16  }
0x4f: {  	v19 =	vld [tilespmem:s14+$0x7080];
	v16 =	vadd.s32 v20, v16  }
0x50: {  	v20 =	vld [tilespmem:s14+$0x7100];
	v16 =	vadd.s32 v21, v16  }
0x51: {  	v21 =	vld [tilespmem:s14+$0x7180];
	v16 =	vadd.s32 v22, v16  }
0x52: {  	v22 =	vld [tilespmem:s14+$0x7200];
	v16 =	vadd.s32 v17, v16  }
0x53: {  	v17 =	vld [tilespmem:s14+$0x7280];
	v16 =	vadd.s32 v18, v16  }
0x54: {  	v18 =	vld [tilespmem:s14+$0x7300];
	v16 =	vadd.s32 v19, v16  }
0x55: {  	v19 =	vld [tilespmem:s14+$0x7380];
	v16 =	vadd.s32 v20, v16  }
0x56: {  	v20 =	vld [tilespmem:s14+$0x8000];
	v16 =	vadd.s32 v21, v16  }
0x57: {  	v21 =	vld [tilespmem:s14+$0x8080];
	v16 =	vadd.s32 v22, v16  }
0x58: {  	v22 =	vld [tilespmem:s14+$0x8100];
	v16 =	vadd.s32 v17, v16  }
0x59: {  	v17 =	vld [tilespmem:s14+$0x8180];
	v16 =	vadd.s32 v18, v16  }
0x5a: {  	v18 =	vld [tilespmem:s14+$0x8200];
	v16 =	vadd.s32 v19, v16  }
0x5b: {  	v19 =	vld [tilespmem:s14+$0x8280];
	v16 =	vadd.s32 v20, v16  }
0x5c: {  	v20 =	vld [tilespmem:s14+$0x8300];
	v16 =	vadd.s32 v21, v16  }
0x5d: {  	v21 =	vld [tilespmem:s14+$0x8380];
	v16 =	vadd.s32 v22, v16  }
0x5e: {  	v22 =	vld [tilespmem:s14+$0x9000];
	v16 =	vadd.s32 v17, v16  }
0x5f: {  	v17 =	vld [tilespmem:s14+$0x9080];
	v16 =	vadd.s32 v18, v16  }
0x60: {  	v18 =	vld [tilespmem:s14+$0x9100];
	v16 =	vadd.s32 v19, v16  }
0x61: {  	v19 =	vld [tilespmem:s14+$0x9180];
	v16 =	vadd.s32 v20, v16  }
0x62: {  	v20 =	vld [tilespmem:s14+$0x9200];
	v16 =	vadd.s32 v21, v16  }
0x63: {  	v21 =	vld [tilespmem:s14+$0x9280];
	v16 =	vadd.s32 v22, v16  }
0x64: {  	v22 =	vld [tilespmem:s14+$0x9300];
	v16 =	vadd.s32 v17, v16  }
0x65: {  	v17 =	vld [tilespmem:s14+$0x9380];
	v16 =	vadd.s32 v18, v16  }
0x66: {  	v18 =	vld [tilespmem:s14+$0xA000];
	v16 =	vadd.s32 v19, v16  }
0x67: {  	v19 =	vld [tilespmem:s14+$0xA080];
	v16 =	vadd.s32 v20, v16  }
0x68: {  	v20 =	vld [tilespmem:s14+$0xA100];
	v16 =	vadd.s32 v21, v16  }
0x69: {  	v21 =	vld [tilespmem:s14+$0xA180];
	v16 =	vadd.s32 v22, v16  }
0x6a: {  	v22 =	vld [tilespmem:s14+$0xA200];
	v16 =	vadd.s32 v17, v16  }
0x6b: {  	v17 =	vld [tilespmem:s14+$0xA280];
	v16 =	vadd.s32 v18, v16  }
0x6c: {  	v18 =	vld [tilespmem:s14+$0xA300];
	v16 =	vadd.s32 v19, v16  }
0x6d: {  	v19 =	vld [tilespmem:s14+$0xA380];
	v16 =	vadd.s32 v20, v16  }
0x6e: {  	v20 =	vld [tilespmem:s14+$0xB000];
	v16 =	vadd.s32 v21, v16  }
0x6f: {  	v21 =	vld [tilespmem:s14+$0xB080];
	v16 =	vadd.s32 v22, v16  }
0x70: {  	v22 =	vld [tilespmem:s14+$0xB100];
	v16 =	vadd.s32 v17, v16  }
0x71: {  	v17 =	vld [tilespmem:s14+$0xB180];
	v16 =	vadd.s32 v18, v16  }
0x72: {  	v18 =	vld [tilespmem:s14+$0xB200];
	v16 =	vadd.s32 v19, v16  }
0x73: {  	v19 =	vld [tilespmem:s14+$0xB280];
	v16 =	vadd.s32 v20, v16  }
0x74: {  	v20 =	vld [tilespmem:s14+$0xB300];
	v16 =	vadd.s32 v21, v16  }
0x75: {  	v21 =	vld [tilespmem:s14+$0xB380];
	v16 =	vadd.s32 v22, v16  }
0x76: {  	v22 =	vld [tilespmem:s14+$0xC000];
	v16 =	vadd.s32 v17, v16  }
0x77: {  	v17 =	vld [tilespmem:s14+$0xC080];
	v16 =	vadd.s32 v18, v16  }
0x78: {  	v18 =	vld [tilespmem:s14+$0xC100];
	v16 =	vadd.s32 v19, v16  }
0x79: {  	v19 =	vld [tilespmem:s14+$0xC180];
	v16 =	vadd.s32 v20, v16  }
0x7a: {  	v20 =	vld [tilespmem:s14+$0xC200];
	v16 =	vadd.s32 v21, v16  }
0x7b: {  	v21 =	vld [tilespmem:s14+$0xC280];
	v16 =	vadd.s32 v22, v16  }
0x7c: {  	v22 =	vld [tilespmem:s14+$0xC300];
	v16 =	vadd.s32 v17, v16  }
0x7d: {  	v17 =	vld [tilespmem:s14+$0xC380];
	v16 =	vadd.s32 v18, v16  }
0x7e: {  	v18 =	vld [tilespmem:s14+$0xD000];
	v16 =	vadd.s32 v19, v16  }
0x7f: {  	v19 =	vld [tilespmem:s14+$0xD080];
	v16 =	vadd.s32 v20, v16  }
0x80: {  	v20 =	vld [tilespmem:s14+$0xD100];
	v16 =	vadd.s32 v21, v16  }
0x81: {  	v21 =	vld [tilespmem:s14+$0xD180];
	v16 =	vadd.s32 v22, v16  }
0x82: {  	v22 =	vld [tilespmem:s14+$0xD200];
	v16 =	vadd.s32 v17, v16  }
0x83: {  	v17 =	vld [tilespmem:s14+$0xD280];
	v16 =	vadd.s32 v18, v16  }
0x84: {  	v18 =	vld [tilespmem:s14+$0xD300];
	v16 =	vadd.s32 v19, v16  }
0x85: {  	v19 =	vld [tilespmem:s14+$0xD380];
	v16 =	vadd.s32 v20, v16  }
0x86: {  	v20 =	vld [tilespmem:s14+$0xE000];
	v16 =	vadd.s32 v21, v16  }
0x87: {  	v21 =	vld [tilespmem:s14+$0xE080];
	v16 =	vadd.s32 v22, v16  }
0x88: {  	v22 =	vld [tilespmem:s14+$0xE100];
	v16 =	vadd.s32 v17, v16  }
0x89: {  	v17 =	vld [tilespmem:s14+$0xE180];
	v16 =	vadd.s32 v18, v16  }
0x8a: {  	v18 =	vld [tilespmem:s14+$0xE200];
	v16 =	vadd.s32 v19, v16  }
0x8b: {  	v19 =	vld [tilespmem:s14+$0xE280];
	v16 =	vadd.s32 v20, v16  }
0x8c: {  	v20 =	vld [tilespmem:s14+$0xE300];
	v16 =	vadd.s32 v21, v16  }
0x8d: {  	v21 =	vld [tilespmem:s14+$0xE380];
	v16 =	vadd.s32 v22, v16  }
0x8e: {  	v22 =	vld [tilespmem:s14+$0xF000];
	v16 =	vadd.s32 v17, v16  }
0x8f: {  	v17 =	vld [tilespmem:s14+$0xF080];
	v16 =	vadd.s32 v18, v16  }
0x90: {  	v18 =	vld [tilespmem:s14+$0xF100];
	v16 =	vadd.s32 v19, v16  }
0x91: {  	v19 =	vld [tilespmem:s14+$0xF180];
	v16 =	vadd.s32 v20, v16  }
0x92: {  	v20 =	vld [tilespmem:s14+$0xF200];
	v16 =	vadd.s32 v21, v16  }
0x93: {  	v21 =	vld [tilespmem:s14+$0xF280];
	v16 =	vadd.s32 v22, v16  }
0x94: {  	v22 =	vld [tilespmem:s14+$0xF300];
	v16 =	vadd.s32 v17, v16  }
0x95: {  	v17 =	vld [tilespmem:s14+$0xF380];
	v16 =	vadd.s32 v18, v16  }
0x96: {  	v18 =	vld [tilespmem:s14+$0x10000];
	v16 =	vadd.s32 v19, v16  }
0x97: {  	v19 =	vld [tilespmem:s14+$0x10080];
	v16 =	vadd.s32 v20, v16  }
0x98: {  	v20 =	vld [tilespmem:s14+$0x10100];
	v16 =	vadd.s32 v21, v16  }
0x99: {  	v21 =	vld [tilespmem:s14+$0x10180];
	v16 =	vadd.s32 v22, v16  }
0x9a: {  	v22 =	vld [tilespmem:s14+$0x10200];
	v16 =	vadd.s32 v17, v16  }
0x9b: {  	v17 =	vld [tilespmem:s14+$0x10280];
	v16 =	vadd.s32 v18, v16  }
0x9c: {  	v18 =	vld [tilespmem:s14+$0x10300];
	v16 =	vadd.s32 v19, v16  }
0x9d: {  	v19 =	vld [tilespmem:s14+$0x10380];
	v16 =	vadd.s32 v20, v16  }
0x9e: {  	v20 =	vld [tilespmem:s14+$0x11000];
	v16 =	vadd.s32 v21, v16  }
0x9f: {  	v21 =	vld [tilespmem:s14+$0x11080];
	v16 =	vadd.s32 v22, v16  }
0xa0: {  	v22 =	vld [tilespmem:s14+$0x11100];
	v16 =	vadd.s32 v17, v16  }
0xa1: {  	v17 =	vld [tilespmem:s14+$0x11180];
	v16 =	vadd.s32 v18, v16  }
0xa2: {  	v18 =	vld [tilespmem:s14+$0x11200];
	v16 =	vadd.s32 v19, v16  }
0xa3: {  	v19 =	vld [tilespmem:s14+$0x11280];
	v16 =	vadd.s32 v20, v16  }
0xa4: {  	v20 =	vld [tilespmem:s14+$0x11300];
	v16 =	vadd.s32 v21, v16  }
0xa5: {  	v21 =	vld [tilespmem:s14+$0x11380];
	v16 =	vadd.s32 v22, v16  }
0xa6: {  	v22 =	vld [tilespmem:s14+$0x12000];
	v16 =	vadd.s32 v17, v16  }
0xa7: {  	v17 =	vld [tilespmem:s14+$0x12080];
	v16 =	vadd.s32 v18, v16  }
0xa8: {  	v18 =	vld [tilespmem:s14+$0x12100];
	v16 =	vadd.s32 v19, v16  }
0xa9: {  	v19 =	vld [tilespmem:s14+$0x12180];
	v16 =	vadd.s32 v20, v16  }
0xaa: {  	v20 =	vld [tilespmem:s14+$0x12200];
	v16 =	vadd.s32 v21, v16  }
0xab: {  	v21 =	vld [tilespmem:s14+$0x12280];
	v16 =	vadd.s32 v22, v16  }
0xac: {  	v22 =	vld [tilespmem:s14+$0x12300];
	v16 =	vadd.s32 v17, v16  }
0xad: {  	v17 =	vld [tilespmem:s14+$0x12380];
	v16 =	vadd.s32 v18, v16  }
0xae: {  	v18 =	vld [tilespmem:s14+$0x13000];
	v16 =	vadd.s32 v19, v16  }
0xaf: {  	v19 =	vld [tilespmem:s14+$0x13080];
	v16 =	vadd.s32 v20, v16  }
0xb0: {  	v20 =	vld [tilespmem:s14+$0x13100];
	v16 =	vadd.s32 v21, v16  }
0xb1: {  	v21 =	vld [tilespmem:s14+$0x13180];
	v16 =	vadd.s32 v22, v16  }
0xb2: {  	v22 =	vld [tilespmem:s14+$0x13200];
	v16 =	vadd.s32 v17, v16  }
0xb3: {  	v17 =	vld [tilespmem:s14+$0x13280];
	v16 =	vadd.s32 v18, v16  }
0xb4: {  	v18 =	vld [tilespmem:s14+$0x13300];
	v16 =	vadd.s32 v19, v16  }
0xb5: {  	v19 =	vld [tilespmem:s14+$0x13380];
	v16 =	vadd.s32 v20, v16  }
0xb6: {  	v20 =	vld [tilespmem:s14+$0x14000];
	v16 =	vadd.s32 v21, v16  }
0xb7: {  	v21 =	vld [tilespmem:s14+$0x14080];
	v16 =	vadd.s32 v22, v16  }
0xb8: {  	v22 =	vld [tilespmem:s14+$0x14100];
	v16 =	vadd.s32 v17, v16  }
0xb9: {  	v17 =	vld [tilespmem:s14+$0x14180];
	v16 =	vadd.s32 v18, v16  }
0xba: {  	v18 =	vld [tilespmem:s14+$0x14200];
	v16 =	vadd.s32 v19, v16  }
0xbb: {  	v19 =	vld [tilespmem:s14+$0x14280];
	v16 =	vadd.s32 v20, v16  }
0xbc: {  	v20 =	vld [tilespmem:s14+$0x14300];
	v16 =	vadd.s32 v21, v16  }
0xbd: {  	v21 =	vld [tilespmem:s14+$0x14380];
	v16 =	vadd.s32 v22, v16  }
0xbe: {  	v22 =	vld [tilespmem:s14+$0x15000];
	v16 =	vadd.s32 v17, v16  }
0xbf: {  	v17 =	vld [tilespmem:s14+$0x15080];
	v16 =	vadd.s32 v18, v16  }
0xc0: {  	v18 =	vld [tilespmem:s14+$0x15100];
	v16 =	vadd.s32 v19, v16  }
0xc1: {  	v19 =	vld [tilespmem:s14+$0x15180];
	v16 =	vadd.s32 v20, v16  }
0xc2: {  	v20 =	vld [tilespmem:s14+$0x15200];
	v16 =	vadd.s32 v21, v16  }
0xc3: {  	v21 =	vld [tilespmem:s14+$0x15280];
	v16 =	vadd.s32 v22, v16  }
0xc4: {  	v22 =	vld [tilespmem:s14+$0x15300];
	v16 =	vadd.s32 v17, v16  }
0xc5: {  	v17 =	vld [tilespmem:s14+$0x15380];
	v16 =	vadd.s32 v18, v16  }
0xc6: {  	v18 =	vld [tilespmem:s14+$0x16000];
	v16 =	vadd.s32 v19, v16  }
0xc7: {  	v19 =	vld [tilespmem:s14+$0x16080];
	v16 =	vadd.s32 v20, v16  }
0xc8: {  	v20 =	vld [tilespmem:s14+$0x16100];
	v16 =	vadd.s32 v21, v16  }
0xc9: {  	v21 =	vld [tilespmem:s14+$0x16180];
	v16 =	vadd.s32 v22, v16  }
0xca: {  	v22 =	vld [tilespmem:s14+$0x16200];
	v16 =	vadd.s32 v17, v16  }
0xcb: {  	v17 =	vld [tilespmem:s14+$0x16280];
	v16 =	vadd.s32 v18, v16  }
0xcc: {  	v18 =	vld [tilespmem:s14+$0x16300];
	v16 =	vadd.s32 v19, v16  }
0xcd: {  	v19 =	vld [tilespmem:s14+$0x16380];
	v16 =	vadd.s32 v20, v16  }
0xce: {  	v20 =	vld [tilespmem:s14+$0x17000];
	v16 =	vadd.s32 v21, v16  }
0xcf: {  	v21 =	vld [tilespmem:s14+$0x17080];
	v16 =	vadd.s32 v22, v16  }
0xd0: {  	v22 =	vld [tilespmem:s14+$0x17100];
	v16 =	vadd.s32 v17, v16  }
0xd1: {  	v23 =	vld [tilespmem:s14+$0x17180];
	v16 =	vadd.s32 v18, v16  }
0xd2: {  	v24 =	vld [tilespmem:s14+$0x17200];
	v17 =	vadd.s32 v19, v16  }
0xd3: {  	v25 =	vld [tilespmem:s14+$0x17280];
	v18 =	vadd.s32 v20, v17  }
0xd4: {  	v26 =	vld [tilespmem:s14+$0x17300];
	v27 =	vperm.xlane v33, v5;
	v16 =	vperm.xlane v32, v0;
	v21 =	vadd.s32 v21, v18  }
0xd5: {  	v28 =	vld [tilespmem:s14+$0x17380];
	v19 =	vperm.xlane v33, v1;
	v18 =	vperm.xlane v32, v4;
	v21 =	vadd.s32 v22, v21  }
0xd6: {  	v29 =	vld [tilespmem:s14+$0x18000];
	v17 =	vperm.xlane v32, v2;
	v20 =	vperm.xlane v33, v3;
	v21 =	vadd.s32 v23, v21  }
0xd7: {  	v37 =	vperm.xlane v33, v12;
	v22 =	vsub.f32 v27, v18;
	v27 =	vld [tilespmem:s14+$0x18080];
	v21 =	vadd.s32 v24, v21  }
0xd8: {  	v30 =	vld [tilespmem:s14+$0x18100];
	v19 =	vsub.f32 v19, v16;
	v20 =	vsub.f32 v20, v17;
	v23 =	vadd.s32 v25, v21  }
0xd9: {  	v31 =	vld [tilespmem:s14+$0x18180];
	v47 =	vperm.xlane v33, v13;
	v50 =	vperm.xlane v33, v14;
	v23 =	vadd.s32 v26, v23  }
0xda: {  	v34 =	vld [tilespmem:s14+$0x18200];
	v19 =	vmul.f32 $4.999999890e-03, v19;
	v20 =	vmul.f32 $4.999999890e-03, v20;
	v24 =	vadd.s32 v28, v23  }
0xdb: {  	v35 =	vld [tilespmem:s14+$0x18280];
	v21 =	vmul.f32 $4.999999890e-03, v22;
	v22 =	vperm.xlane v32, v6;
	v25 =	vadd.s32 v29, v24  }
0xdc: {  	v36 =	vld [tilespmem:s14+$0x18300];
	v26 =	vperm.xlane v33, v7;
	v23 =	vperm.xlane v32, v8;
	v27 =	vadd.s32 v27, v25  }
0xdd: {  	v38 =	vld [tilespmem:s14+$0x18380];
	v28 =	vperm.xlane v33, v9;
	v24 =	vperm.xlane v32, v10;
	v27 =	vadd.s32 v30, v27  }
0xde: {  	v29 =	vperm.xlane v33, v11;
	v26 =	vsub.f32 v26, v22;
	v27 =	vadd.s32 v31, v27  }
0xdf: {  	v33 =	vperm.xlane v33, v15;
	v25 =	vperm.xlane v32, v1;
	v31 =	vadd.s32 v34, v27  }
0xe0: {  	v28 =	vsub.f32 v28, v23;
	v29 =	vsub.f32 v29, v24;
	v31 =	vadd.s32 v35, v31  }
0xe1: {  	v26 =	vmul.f32 $4.999999890e-03, v26;
	v30 =	vsub.f32 v37, v25;
	v31 =	vadd.s32 v36, v31  }
0xe2: {  	v27 =	vmul.f32 $4.999999890e-03, v28;
	v28 =	vmul.f32 $4.999999890e-03, v29;
	v48 =	vadd.s32 v38, v31  }
0xe3: {  	v29 =	vmul.f32 $4.999999890e-03, v30;
	v49 =	vcvt.s32.f32 v48  }
0xe4: {  	v30 =	vperm.xlane v32, v3;
	v31 =	vperm.xlane v32, v5  }
0xe5: {  	v32 =	vperm.xlane v32, v7;
	v51 =	vmul.f32 v49, v19  }
0xe6: {  	v52 =	vsub.f32 v47, v30;
	v53 =	vsub.f32 v50, v31;
	v54 =	vmul.f32 v49, v21  }
0xe7: {  	v39 =	vsub.f32 v33, v32;
	v40 =	vmul.f32 v49, v20;
	v37 =	vadd.f32 v51, v16  }
0xe8: {  	v35 =	vmul.f32 $4.999999890e-03, v52;
	v41 =	vmul.f32 v49, v26;
	v42 =	vadd.f32 v54, v18  }
0xe9: {  	v56 =	vmul.f32 v49, v28;
	v57 =	vmul.f32 v49, v27;
	v55 =	vadd.f32 v40, v17;
	[tilespmem:s14+$0x19000] =	vst v37  }
0xea: {  	v33 =	vmul.f32 $4.999999890e-03, v53;
	v34 =	vmul.f32 $4.999999890e-03, v39;
	v58 =	vadd.f32 v41, v22;
	[tilespmem:s14+$0x19100] =	vst v42  }
0xeb: {  	v62 =	vmul.f32 v49, v29;
	v43 =	vmul.f32 v49, v35;
	v61 =	vadd.f32 v56, v24;
	[tilespmem:s14+$0x19080] =	vst v55  }
0xec: {  	v63 =	vadd.f32 v57, v23;
	v59 =	vmul.f32 v49, v33;
	v60 =	vmul.f32 v49, v34;
	[tilespmem:s16+$0x19000] =	vst v58  }
0xed: {  	v39 =	vadd.f32 v62, v25;
	v38 =	vadd.f32 v43, v30;
	[tilespmem:s14+$0x19280] =	vst v61  }
0xee: {  	s18 =	simm.s32 $0x10;
	v36 =	vadd.f32 v59, v31;
	v37 =	vadd.f32 v60, v32;
	s16 =	simm.s32 $0x80;
	[tilespmem:s14+$0x19200] =	vst v63  }
.LBB2_2:
0xef: {  	s19 =	sand.u32 $0x70, s18  }
0xf0: {  	s20 =	sand.u32 $0xC00, s16;
	[tilespmem:s14+$0x19300] =	vst v39;
	s21 =	smov.u32 s18;
	s17 =	sadd.s32 $0x10, s18  }
0xf1: {  	p0 =	sne.s32 s18, $0x1F0;
	s19 =	sor.u32 s19, s20;
	s20 =	sor.u32 s20, s21;
	[tilespmem:s15+$0x19000] =	vst v38  }
0xf2: {  	v38 =	vld [tilespmem:s19+$0x0];
	[tilespmem:s14+$0x1A000] =	vst v36  }
0xf3: {  	v36 =	vld [tilespmem:s19+$0x80];
	[tilespmem:s14+$0x1A080] =	vst v37;
	s14 =	smov.u32 s19  }
0xf4: {  	s18 =	sor.u32 $0x180, s20;
	v37 =	vld [tilespmem:s14+$0x100]  }
0xf5: {  	v39 =	vld [tilespmem:s18+$0x0]  }
0xf6: {  	v40 =	vld [tilespmem:s14+$0x200]  }
0xf7: {  	s15 =	sor.u32 s16, s21;
	v41 =	vld [tilespmem:s14+$0x280]  }
0xf8: {  	s15 =	sor.u32 $0x380, s15;
	v42 =	vld [tilespmem:s14+$0x300];
	v36 =	vadd.s32 v38, v36  }
0xf9: {  	v38 =	vld [tilespmem:s15+$0x0];
	v36 =	vadd.s32 v37, v36  }
0xfa: {  	v37 =	vld [tilespmem:s14+$0x1000];
	v36 =	vadd.s32 v39, v36  }
0xfb: {  	v39 =	vld [tilespmem:s14+$0x1080];
	v36 =	vadd.s32 v40, v36  }
0xfc: {  	v40 =	vld [tilespmem:s14+$0x1100];
	v36 =	vadd.s32 v41, v36  }
0xfd: {  	v41 =	vld [tilespmem:s14+$0x1180];
	v36 =	vadd.s32 v42, v36  }
0xfe: {  	v42 =	vld [tilespmem:s14+$0x1200];
	v36 =	vadd.s32 v38, v36  }
0xff: {  	v38 =	vld [tilespmem:s14+$0x1280];
	v36 =	vadd.s32 v37, v36  }
0x100: {  	v37 =	vld [tilespmem:s14+$0x1300];
	v36 =	vadd.s32 v39, v36  }
0x101: {  	v39 =	vld [tilespmem:s14+$0x1380];
	v36 =	vadd.s32 v40, v36  }
0x102: {  	v40 =	vld [tilespmem:s14+$0x2000];
	v36 =	vadd.s32 v41, v36  }
0x103: {  	v41 =	vld [tilespmem:s14+$0x2080];
	v36 =	vadd.s32 v42, v36  }
0x104: {  	v42 =	vld [tilespmem:s14+$0x2100];
	v36 =	vadd.s32 v38, v36  }
0x105: {  	v38 =	vld [tilespmem:s14+$0x2180];
	v36 =	vadd.s32 v37, v36  }
0x106: {  	v37 =	vld [tilespmem:s14+$0x2200];
	v36 =	vadd.s32 v39, v36  }
0x107: {  	v39 =	vld [tilespmem:s14+$0x2280];
	v36 =	vadd.s32 v40, v36  }
0x108: {  	v40 =	vld [tilespmem:s14+$0x2300];
	v36 =	vadd.s32 v41, v36  }
0x109: {  	v41 =	vld [tilespmem:s14+$0x2380];
	v36 =	vadd.s32 v42, v36  }
0x10a: {  	v42 =	vld [tilespmem:s14+$0x3000];
	v36 =	vadd.s32 v38, v36  }
0x10b: {  	v38 =	vld [tilespmem:s14+$0x3080];
	v36 =	vadd.s32 v37, v36  }
0x10c: {  	v37 =	vld [tilespmem:s14+$0x3100];
	v36 =	vadd.s32 v39, v36  }
0x10d: {  	v39 =	vld [tilespmem:s14+$0x3180];
	v36 =	vadd.s32 v40, v36  }
0x10e: {  	v40 =	vld [tilespmem:s14+$0x3200];
	v36 =	vadd.s32 v41, v36  }
0x10f: {  	v41 =	vld [tilespmem:s14+$0x3280];
	v36 =	vadd.s32 v42, v36  }
0x110: {  	v42 =	vld [tilespmem:s14+$0x3300];
	v36 =	vadd.s32 v38, v36  }
0x111: {  	v38 =	vld [tilespmem:s14+$0x3380];
	v36 =	vadd.s32 v37, v36  }
0x112: {  	v37 =	vld [tilespmem:s14+$0x4000];
	v36 =	vadd.s32 v39, v36  }
0x113: {  	v39 =	vld [tilespmem:s14+$0x4080];
	v36 =	vadd.s32 v40, v36  }
0x114: {  	v40 =	vld [tilespmem:s14+$0x4100];
	v36 =	vadd.s32 v41, v36  }
0x115: {  	v41 =	vld [tilespmem:s14+$0x4180];
	v36 =	vadd.s32 v42, v36  }
0x116: {  	v42 =	vld [tilespmem:s14+$0x4200];
	v36 =	vadd.s32 v38, v36  }
0x117: {  	v38 =	vld [tilespmem:s14+$0x4280];
	v36 =	vadd.s32 v37, v36  }
0x118: {  	v37 =	vld [tilespmem:s14+$0x4300];
	v36 =	vadd.s32 v39, v36  }
0x119: {  	v39 =	vld [tilespmem:s14+$0x4380];
	v36 =	vadd.s32 v40, v36  }
0x11a: {  	v40 =	vld [tilespmem:s14+$0x5000];
	v36 =	vadd.s32 v41, v36  }
0x11b: {  	v41 =	vld [tilespmem:s14+$0x5080];
	v36 =	vadd.s32 v42, v36  }
0x11c: {  	v42 =	vld [tilespmem:s14+$0x5100];
	v36 =	vadd.s32 v38, v36  }
0x11d: {  	v38 =	vld [tilespmem:s14+$0x5180];
	v36 =	vadd.s32 v37, v36  }
0x11e: {  	v37 =	vld [tilespmem:s14+$0x5200];
	v36 =	vadd.s32 v39, v36  }
0x11f: {  	v39 =	vld [tilespmem:s14+$0x5280];
	v36 =	vadd.s32 v40, v36  }
0x120: {  	v40 =	vld [tilespmem:s14+$0x5300];
	v36 =	vadd.s32 v41, v36  }
0x121: {  	v41 =	vld [tilespmem:s14+$0x5380];
	v36 =	vadd.s32 v42, v36  }
0x122: {  	v42 =	vld [tilespmem:s14+$0x6000];
	v36 =	vadd.s32 v38, v36  }
0x123: {  	v38 =	vld [tilespmem:s14+$0x6080];
	v36 =	vadd.s32 v37, v36  }
0x124: {  	v37 =	vld [tilespmem:s14+$0x6100];
	v36 =	vadd.s32 v39, v36  }
0x125: {  	v39 =	vld [tilespmem:s14+$0x6180];
	v36 =	vadd.s32 v40, v36  }
0x126: {  	v40 =	vld [tilespmem:s14+$0x6200];
	v36 =	vadd.s32 v41, v36  }
0x127: {  	v41 =	vld [tilespmem:s14+$0x6280];
	v36 =	vadd.s32 v42, v36  }
0x128: {  	v42 =	vld [tilespmem:s14+$0x6300];
	v36 =	vadd.s32 v38, v36  }
0x129: {  	v38 =	vld [tilespmem:s14+$0x6380];
	v36 =	vadd.s32 v37, v36  }
0x12a: {  	v37 =	vld [tilespmem:s14+$0x7000];
	v36 =	vadd.s32 v39, v36  }
0x12b: {  	v39 =	vld [tilespmem:s14+$0x7080];
	v36 =	vadd.s32 v40, v36  }
0x12c: {  	v40 =	vld [tilespmem:s14+$0x7100];
	v36 =	vadd.s32 v41, v36  }
0x12d: {  	v41 =	vld [tilespmem:s14+$0x7180];
	v36 =	vadd.s32 v42, v36  }
0x12e: {  	v42 =	vld [tilespmem:s14+$0x7200];
	v36 =	vadd.s32 v38, v36  }
0x12f: {  	v38 =	vld [tilespmem:s14+$0x7280];
	v36 =	vadd.s32 v37, v36  }
0x130: {  	v37 =	vld [tilespmem:s14+$0x7300];
	v36 =	vadd.s32 v39, v36  }
0x131: {  	v39 =	vld [tilespmem:s14+$0x7380];
	v36 =	vadd.s32 v40, v36  }
0x132: {  	v40 =	vld [tilespmem:s14+$0x8000];
	v36 =	vadd.s32 v41, v36  }
0x133: {  	v41 =	vld [tilespmem:s14+$0x8080];
	v36 =	vadd.s32 v42, v36  }
0x134: {  	v42 =	vld [tilespmem:s14+$0x8100];
	v36 =	vadd.s32 v38, v36  }
0x135: {  	v38 =	vld [tilespmem:s14+$0x8180];
	v36 =	vadd.s32 v37, v36  }
0x136: {  	v37 =	vld [tilespmem:s14+$0x8200];
	v36 =	vadd.s32 v39, v36  }
0x137: {  	v39 =	vld [tilespmem:s14+$0x8280];
	v36 =	vadd.s32 v40, v36  }
0x138: {  	v40 =	vld [tilespmem:s14+$0x8300];
	v36 =	vadd.s32 v41, v36  }
0x139: {  	v41 =	vld [tilespmem:s14+$0x8380];
	v36 =	vadd.s32 v42, v36  }
0x13a: {  	v42 =	vld [tilespmem:s14+$0x9000];
	v36 =	vadd.s32 v38, v36  }
0x13b: {  	v38 =	vld [tilespmem:s14+$0x9080];
	v36 =	vadd.s32 v37, v36  }
0x13c: {  	v37 =	vld [tilespmem:s14+$0x9100];
	v36 =	vadd.s32 v39, v36  }
0x13d: {  	v39 =	vld [tilespmem:s14+$0x9180];
	v36 =	vadd.s32 v40, v36  }
0x13e: {  	v40 =	vld [tilespmem:s14+$0x9200];
	v36 =	vadd.s32 v41, v36  }
0x13f: {  	v41 =	vld [tilespmem:s14+$0x9280];
	v36 =	vadd.s32 v42, v36  }
0x140: {  	v42 =	vld [tilespmem:s14+$0x9300];
	v36 =	vadd.s32 v38, v36  }
0x141: {  	v38 =	vld [tilespmem:s14+$0x9380];
	v36 =	vadd.s32 v37, v36  }
0x142: {  	v37 =	vld [tilespmem:s14+$0xA000];
	v36 =	vadd.s32 v39, v36  }
0x143: {  	v39 =	vld [tilespmem:s14+$0xA080];
	v36 =	vadd.s32 v40, v36  }
0x144: {  	v40 =	vld [tilespmem:s14+$0xA100];
	v36 =	vadd.s32 v41, v36  }
0x145: {  	v41 =	vld [tilespmem:s14+$0xA180];
	v36 =	vadd.s32 v42, v36  }
0x146: {  	v42 =	vld [tilespmem:s14+$0xA200];
	v36 =	vadd.s32 v38, v36  }
0x147: {  	v38 =	vld [tilespmem:s14+$0xA280];
	v36 =	vadd.s32 v37, v36  }
0x148: {  	v37 =	vld [tilespmem:s14+$0xA300];
	v36 =	vadd.s32 v39, v36  }
0x149: {  	v39 =	vld [tilespmem:s14+$0xA380];
	v36 =	vadd.s32 v40, v36  }
0x14a: {  	v40 =	vld [tilespmem:s14+$0xB000];
	v36 =	vadd.s32 v41, v36  }
0x14b: {  	v41 =	vld [tilespmem:s14+$0xB080];
	v36 =	vadd.s32 v42, v36  }
0x14c: {  	v42 =	vld [tilespmem:s14+$0xB100];
	v36 =	vadd.s32 v38, v36  }
0x14d: {  	v38 =	vld [tilespmem:s14+$0xB180];
	v36 =	vadd.s32 v37, v36  }
0x14e: {  	v37 =	vld [tilespmem:s14+$0xB200];
	v36 =	vadd.s32 v39, v36  }
0x14f: {  	v39 =	vld [tilespmem:s14+$0xB280];
	v36 =	vadd.s32 v40, v36  }
0x150: {  	v40 =	vld [tilespmem:s14+$0xB300];
	v36 =	vadd.s32 v41, v36  }
0x151: {  	v41 =	vld [tilespmem:s14+$0xB380];
	v36 =	vadd.s32 v42, v36  }
0x152: {  	v42 =	vld [tilespmem:s14+$0xC000];
	v36 =	vadd.s32 v38, v36  }
0x153: {  	v38 =	vld [tilespmem:s14+$0xC080];
	v36 =	vadd.s32 v37, v36  }
0x154: {  	v37 =	vld [tilespmem:s14+$0xC100];
	v36 =	vadd.s32 v39, v36  }
0x155: {  	v39 =	vld [tilespmem:s14+$0xC180];
	v36 =	vadd.s32 v40, v36  }
0x156: {  	v40 =	vld [tilespmem:s14+$0xC200];
	v36 =	vadd.s32 v41, v36  }
0x157: {  	v41 =	vld [tilespmem:s14+$0xC280];
	v36 =	vadd.s32 v42, v36  }
0x158: {  	v42 =	vld [tilespmem:s14+$0xC300];
	v36 =	vadd.s32 v38, v36  }
0x159: {  	v38 =	vld [tilespmem:s14+$0xC380];
	v36 =	vadd.s32 v37, v36  }
0x15a: {  	v37 =	vld [tilespmem:s14+$0xD000];
	v36 =	vadd.s32 v39, v36  }
0x15b: {  	v39 =	vld [tilespmem:s14+$0xD080];
	v36 =	vadd.s32 v40, v36  }
0x15c: {  	v40 =	vld [tilespmem:s14+$0xD100];
	v36 =	vadd.s32 v41, v36  }
0x15d: {  	v41 =	vld [tilespmem:s14+$0xD180];
	v36 =	vadd.s32 v42, v36  }
0x15e: {  	v42 =	vld [tilespmem:s14+$0xD200];
	v36 =	vadd.s32 v38, v36  }
0x15f: {  	v38 =	vld [tilespmem:s14+$0xD280];
	v36 =	vadd.s32 v37, v36  }
0x160: {  	v37 =	vld [tilespmem:s14+$0xD300];
	v36 =	vadd.s32 v39, v36  }
0x161: {  	v39 =	vld [tilespmem:s14+$0xD380];
	v36 =	vadd.s32 v40, v36  }
0x162: {  	v40 =	vld [tilespmem:s14+$0xE000];
	v36 =	vadd.s32 v41, v36  }
0x163: {  	v41 =	vld [tilespmem:s14+$0xE080];
	v36 =	vadd.s32 v42, v36  }
0x164: {  	v42 =	vld [tilespmem:s14+$0xE100];
	v36 =	vadd.s32 v38, v36  }
0x165: {  	v38 =	vld [tilespmem:s14+$0xE180];
	v36 =	vadd.s32 v37, v36  }
0x166: {  	v37 =	vld [tilespmem:s14+$0xE200];
	v36 =	vadd.s32 v39, v36  }
0x167: {  	v39 =	vld [tilespmem:s14+$0xE280];
	v36 =	vadd.s32 v40, v36  }
0x168: {  	v40 =	vld [tilespmem:s14+$0xE300];
	v36 =	vadd.s32 v41, v36  }
0x169: {  	v41 =	vld [tilespmem:s14+$0xE380];
	v36 =	vadd.s32 v42, v36  }
0x16a: {  	v42 =	vld [tilespmem:s14+$0xF000];
	v36 =	vadd.s32 v38, v36  }
0x16b: {  	v38 =	vld [tilespmem:s14+$0xF080];
	v36 =	vadd.s32 v37, v36  }
0x16c: {  	v37 =	vld [tilespmem:s14+$0xF100];
	v36 =	vadd.s32 v39, v36  }
0x16d: {  	v39 =	vld [tilespmem:s14+$0xF180];
	v36 =	vadd.s32 v40, v36  }
0x16e: {  	v40 =	vld [tilespmem:s14+$0xF200];
	v36 =	vadd.s32 v41, v36  }
0x16f: {  	v41 =	vld [tilespmem:s14+$0xF280];
	v36 =	vadd.s32 v42, v36  }
0x170: {  	v42 =	vld [tilespmem:s14+$0xF300];
	v36 =	vadd.s32 v38, v36  }
0x171: {  	v38 =	vld [tilespmem:s14+$0xF380];
	v36 =	vadd.s32 v37, v36  }
0x172: {  	v37 =	vld [tilespmem:s14+$0x10000];
	v36 =	vadd.s32 v39, v36  }
0x173: {  	v39 =	vld [tilespmem:s14+$0x10080];
	v36 =	vadd.s32 v40, v36  }
0x174: {  	v40 =	vld [tilespmem:s14+$0x10100];
	v36 =	vadd.s32 v41, v36  }
0x175: {  	v41 =	vld [tilespmem:s14+$0x10180];
	v36 =	vadd.s32 v42, v36  }
0x176: {  	v42 =	vld [tilespmem:s14+$0x10200];
	v36 =	vadd.s32 v38, v36  }
0x177: {  	v38 =	vld [tilespmem:s14+$0x10280];
	v36 =	vadd.s32 v37, v36  }
0x178: {  	v37 =	vld [tilespmem:s14+$0x10300];
	v36 =	vadd.s32 v39, v36  }
0x179: {  	v39 =	vld [tilespmem:s14+$0x10380];
	v36 =	vadd.s32 v40, v36  }
0x17a: {  	v40 =	vld [tilespmem:s14+$0x11000];
	v36 =	vadd.s32 v41, v36  }
0x17b: {  	v41 =	vld [tilespmem:s14+$0x11080];
	v36 =	vadd.s32 v42, v36  }
0x17c: {  	v42 =	vld [tilespmem:s14+$0x11100];
	v36 =	vadd.s32 v38, v36  }
0x17d: {  	v38 =	vld [tilespmem:s14+$0x11180];
	v36 =	vadd.s32 v37, v36  }
0x17e: {  	v37 =	vld [tilespmem:s14+$0x11200];
	v36 =	vadd.s32 v39, v36  }
0x17f: {  	v39 =	vld [tilespmem:s14+$0x11280];
	v36 =	vadd.s32 v40, v36  }
0x180: {  	v40 =	vld [tilespmem:s14+$0x11300];
	v36 =	vadd.s32 v41, v36  }
0x181: {  	v41 =	vld [tilespmem:s14+$0x11380];
	v36 =	vadd.s32 v42, v36  }
0x182: {  	v42 =	vld [tilespmem:s14+$0x12000];
	v36 =	vadd.s32 v38, v36  }
0x183: {  	v38 =	vld [tilespmem:s14+$0x12080];
	v36 =	vadd.s32 v37, v36  }
0x184: {  	v37 =	vld [tilespmem:s14+$0x12100];
	v36 =	vadd.s32 v39, v36  }
0x185: {  	v39 =	vld [tilespmem:s14+$0x12180];
	v36 =	vadd.s32 v40, v36  }
0x186: {  	v40 =	vld [tilespmem:s14+$0x12200];
	v36 =	vadd.s32 v41, v36  }
0x187: {  	v41 =	vld [tilespmem:s14+$0x12280];
	v36 =	vadd.s32 v42, v36  }
0x188: {  	v42 =	vld [tilespmem:s14+$0x12300];
	v36 =	vadd.s32 v38, v36  }
0x189: {  	v38 =	vld [tilespmem:s14+$0x12380];
	v36 =	vadd.s32 v37, v36  }
0x18a: {  	v37 =	vld [tilespmem:s14+$0x13000];
	v36 =	vadd.s32 v39, v36  }
0x18b: {  	v39 =	vld [tilespmem:s14+$0x13080];
	v36 =	vadd.s32 v40, v36  }
0x18c: {  	v40 =	vld [tilespmem:s14+$0x13100];
	v36 =	vadd.s32 v41, v36  }
0x18d: {  	v41 =	vld [tilespmem:s14+$0x13180];
	v36 =	vadd.s32 v42, v36  }
0x18e: {  	v42 =	vld [tilespmem:s14+$0x13200];
	v36 =	vadd.s32 v38, v36  }
0x18f: {  	v38 =	vld [tilespmem:s14+$0x13280];
	v36 =	vadd.s32 v37, v36  }
0x190: {  	v37 =	vld [tilespmem:s14+$0x13300];
	v36 =	vadd.s32 v39, v36  }
0x191: {  	v39 =	vld [tilespmem:s14+$0x13380];
	v36 =	vadd.s32 v40, v36  }
0x192: {  	v40 =	vld [tilespmem:s14+$0x14000];
	v36 =	vadd.s32 v41, v36  }
0x193: {  	v41 =	vld [tilespmem:s14+$0x14080];
	v36 =	vadd.s32 v42, v36  }
0x194: {  	v42 =	vld [tilespmem:s14+$0x14100];
	v36 =	vadd.s32 v38, v36  }
0x195: {  	v38 =	vld [tilespmem:s14+$0x14180];
	v36 =	vadd.s32 v37, v36  }
0x196: {  	v37 =	vld [tilespmem:s14+$0x14200];
	v36 =	vadd.s32 v39, v36  }
0x197: {  	v39 =	vld [tilespmem:s14+$0x14280];
	v36 =	vadd.s32 v40, v36  }
0x198: {  	v40 =	vld [tilespmem:s14+$0x14300];
	v36 =	vadd.s32 v41, v36  }
0x199: {  	v41 =	vld [tilespmem:s14+$0x14380];
	v36 =	vadd.s32 v42, v36  }
0x19a: {  	v42 =	vld [tilespmem:s14+$0x15000];
	v36 =	vadd.s32 v38, v36  }
0x19b: {  	v38 =	vld [tilespmem:s14+$0x15080];
	v36 =	vadd.s32 v37, v36  }
0x19c: {  	v37 =	vld [tilespmem:s14+$0x15100];
	v36 =	vadd.s32 v39, v36  }
0x19d: {  	v39 =	vld [tilespmem:s14+$0x15180];
	v36 =	vadd.s32 v40, v36  }
0x19e: {  	v40 =	vld [tilespmem:s14+$0x15200];
	v36 =	vadd.s32 v41, v36  }
0x19f: {  	v41 =	vld [tilespmem:s14+$0x15280];
	v36 =	vadd.s32 v42, v36  }
0x1a0: {  	v42 =	vld [tilespmem:s14+$0x15300];
	v36 =	vadd.s32 v38, v36  }
0x1a1: {  	v38 =	vld [tilespmem:s14+$0x15380];
	v36 =	vadd.s32 v37, v36  }
0x1a2: {  	v37 =	vld [tilespmem:s14+$0x16000];
	v36 =	vadd.s32 v39, v36  }
0x1a3: {  	v39 =	vld [tilespmem:s14+$0x16080];
	v36 =	vadd.s32 v40, v36  }
0x1a4: {  	v40 =	vld [tilespmem:s14+$0x16100];
	v36 =	vadd.s32 v41, v36  }
0x1a5: {  	v41 =	vld [tilespmem:s14+$0x16180];
	v36 =	vadd.s32 v42, v36  }
0x1a6: {  	v42 =	vld [tilespmem:s14+$0x16200];
	v36 =	vadd.s32 v38, v36  }
0x1a7: {  	v38 =	vld [tilespmem:s14+$0x16280];
	v36 =	vadd.s32 v37, v36  }
0x1a8: {  	v37 =	vld [tilespmem:s14+$0x16300];
	v36 =	vadd.s32 v39, v36  }
0x1a9: {  	v39 =	vld [tilespmem:s14+$0x16380];
	v36 =	vadd.s32 v40, v36  }
0x1aa: {  	v40 =	vld [tilespmem:s14+$0x17000];
	v36 =	vadd.s32 v41, v36  }
0x1ab: {  	v41 =	vld [tilespmem:s14+$0x17080];
	v36 =	vadd.s32 v42, v36  }
0x1ac: {  	v42 =	vld [tilespmem:s14+$0x17100];
	v36 =	vadd.s32 v38, v36  }
0x1ad: {  	v38 =	vld [tilespmem:s14+$0x17180];
	v36 =	vadd.s32 v37, v36  }
0x1ae: {  	v37 =	vld [tilespmem:s14+$0x17200];
	v36 =	vadd.s32 v39, v36  }
0x1af: {  	v39 =	vld [tilespmem:s14+$0x17280];
	v36 =	vadd.s32 v40, v36  }
0x1b0: {  	v40 =	vld [tilespmem:s14+$0x17300];
	v36 =	vadd.s32 v41, v36  }
0x1b1: {  	v41 =	vld [tilespmem:s14+$0x17380];
	v36 =	vadd.s32 v42, v36  }
0x1b2: {  	v42 =	vld [tilespmem:s14+$0x18000];
	v36 =	vadd.s32 v38, v36  }
0x1b3: {  	v38 =	vld [tilespmem:s14+$0x18080];
	v36 =	vadd.s32 v37, v36  }
0x1b4: {  	v37 =	vld [tilespmem:s14+$0x18100];
	v36 =	vadd.s32 v39, v36  }
0x1b5: {  	v39 =	vld [tilespmem:s14+$0x18180];
	v36 =	vadd.s32 v40, v36  }
0x1b6: {  	v40 =	vld [tilespmem:s14+$0x18200];
	v36 =	vadd.s32 v41, v36  }
0x1b7: {  	v41 =	vld [tilespmem:s14+$0x18280];
	v36 =	vadd.s32 v42, v36  }
0x1b8: {  	v42 =	vld [tilespmem:s14+$0x18300];
	v36 =	vadd.s32 v38, v36  }
0x1b9: {  	v38 =	vld [tilespmem:s14+$0x18380];
	v36 =	vadd.s32 v37, v36  }
0x1ba: {  	v36 =	vadd.s32 v39, v36  }
0x1bb: {  	v36 =	vadd.s32 v40, v36  }
0x1bc: {  	v36 =	vadd.s32 v41, v36  }
0x1bd: {  	v36 =	vadd.s32 v42, v36  }
0x1be: {  	v36 =	vadd.s32 v38, v36  }
0x1bf: {  	v36 =	vcvt.s32.f32 v36;
	_ =	sdelay $0x1  }
0x1c0: {  	v37 =	vmul.f32 v36, v19;
	v38 =	vmul.f32 v36, v20  }
0x1c1: {  	v39 =	vmul.f32 v36, v21;
	v40 =	vmul.f32 v36, v26  }
0x1c2: {  	v41 =	vmul.f32 v36, v28;
	v37 =	vadd.f32 v37, v16;
	v38 =	vadd.f32 v38, v17  }
0x1c3: {  	v42 =	vmul.f32 v36, v27;
	v43 =	vmul.f32 v36, v29;
	v39 =	vadd.f32 v39, v18  }
0x1c4: {  	v44 =	vmul.f32 v36, v35;
	[tilespmem:s14+$0x19000] =	vst v37;
	v37 =	vmul.f32 v36, v33  }
.Ltmp0:
0x1c5: {  	[tilespmem:s14+$0x19100] =	vst v39;
	v39 =	vadd.f32 v40, v22;
	v40 =	vmul.f32 v36, v34;
	(pc) =	sbr.rel @p0 .LBB2_2-.Ltmp0, $4  }
0x1c6: {  	[tilespmem:s14+$0x19080] =	vst v38;
	v38 =	vadd.f32 v41, v24;
	v36 =	vadd.f32 v37, v31  }
0x1c7: {  	v41 =	vadd.f32 v42, v23;
	[tilespmem:s18+$0x19000] =	vst v39;
	v37 =	vadd.f32 v40, v32  }
0x1c8: {  	v39 =	vadd.f32 v43, v25;
	[tilespmem:s14+$0x19280] =	vst v38  }
0x1c9: {  	s16 =	sadd.s32 $0x80, s16;
	s18 =	smov.u32 s17;
	v38 =	vadd.f32 v44, v30;
	[tilespmem:s14+$0x19200] =	vst v41  }
0x1ca: {  	[tilespmem:s14+$0x19300] =	vst v39  }
0x1cb: {  	s13 =	sadd.s32 $0x1, s13;
	[tilespmem:s15+$0x19000] =	vst v38  }
0x1cc: {  	p0 =	sne.s32 s13, s6;
	[tilespmem:s14+$0x1A000] =	vst v36  }
.Ltmp1:
0x1cd: {  	[tilespmem:s14+$0x1A080] =	vst v37;
	(pc) =	sbr.rel @p0 .LBB2_1-.Ltmp1, $4  }
0x1ce: {  	[hbm4b:s5+s7] =	stream.strided.scatter [tilespmem:s12], [sflag:$0x2], $0x2000, s8, s7, $0x38;
	[tilespmem:$0x1B080] =	vst v63  }
0x1cf: {  	_ =	swait.ge [sflag:s10], $0x2000  }
0x1d0: {  	[sflag:s10] =	ssyncset.done $0x0  }
0x1d1: {  	[sflag:s10] =	ssyncadd.s32 $0xFFFFE000  }
0x1d2: {  	_ =	sfence.sel $0x180000  }
0x1d3: {  	[bflag:$0x0] =	sbarrier.arrive $0xFFFF  }
0x1d4: {  	p0 =	sne.s32 s1, $0x0;
	_ =	strace $0x90000047  }
0x1d5: {  	s0 =	sadd.s32 @!p0 $0x100000, s0;
	[bflag:$0x2] =	sbarrier.arrive $0xFFFF  }
0x1d6: {  	[sflag:s0] =	ssyncadd.tile.s32 @!p0 $0x1;
	_ =	shalt  }
.Lfunc_end2:
_tile_overlayer_lowered:
.L_overlay_start_2:
0x1d7: {  	(tag) =	ssettag $0x2  }
0x1d8: {  	s0 =	rddreg [dreg:$0x0];
	s2 =	stileid.u32  }
0x1d9: {  	s1 =	rddreg [dreg:$0x1];
	p0 =	sne.s32 s2, $0x0  }
0x1da: {  	s3 =	rddreg [dreg:$0x2];
	[bflag:$0x3] =	sbarrier.arrive $0xFFFF;
	s2 =	simm.s32 @!p0 $0x1C02  }
0x1db: {  	[timem:s3], [sflag:s2] =	dma.local @!p0 [hbm:s0], s1  }
0x1dc: {  	s0 =	simm.s32 @!p0 $0x2  }
0x1dd: {  	_ =	swait.ge @!p0 [sflag:s0], s1  }
0x1de: {  	s1 =	ssub.s32 @!p0 $0x0, s1;
	[sflag:s0] =	ssyncset.done @!p0 $0x0  }
0x1df: {  	[sflag:s0] =	ssyncadd.s32 @!p0 s1  }
0x1e0: {  	[bflag:$0x3] =	sbarrier.arrive $0xFFFF  }
0x1e1: {  	_ =	shalt  }

</sc_bundles>
